<compile_context>
chip_gen: v7x
topology: tpu7x:2x2x1
jax: 0.10.2.dev20260603
libtpu: 0.0.44.dev20260713+nightly
codegen_flags: <defaults>
</compile_context>

<pallas_src>
import functools

import jax
import jax.numpy as jnp
from jax import lax
from jax.experimental import pallas as pl
from jax.experimental.pallas import tpu as pltpu
from jax.experimental.pallas import tpu_sc as plsc

N = 10000
E = 320000
NODE_DIM = 128
EDGE_DIM = 16
GLOBAL_DIM = 16
HID = 64
EPS = 1e-5

NC = 2
NS = 16
NW = NC * NS
EPT = E // NW
KE = 80
NP = 10240
RPT = NP // NS


def _ln(u, g, b):
    mu = jnp.mean(u, axis=-1, keepdims=True)
    var = jnp.mean((u - mu) ** 2, axis=-1, keepdims=True)
    return (u - mu) / jnp.sqrt(var + EPS) * g + b



def _make_sc_spmm(with_ea):
    mesh = plsc.VectorSubcoreMesh(core_axis_name="c", subcore_axis_name="s")
    out_type = [jax.ShapeDtypeStruct((NP, HID), jnp.float32),
                jax.ShapeDtypeStruct((NP, HID), jnp.float32)]
    scratch = [
        pltpu.VMEM((KE,), jnp.int32),
        pltpu.VMEM((KE,), jnp.int32),
        pltpu.VMEM((KE, HID), jnp.float32),
        pltpu.VMEM((RPT, HID), jnp.float32),
        pltpu.VMEM_SHARED((NP, HID), jnp.float32),
        pltpu.SemaphoreType.DMA,
    ]
    if with_ea:
        out_type += [jax.ShapeDtypeStruct((NP, EDGE_DIM), jnp.float32),
                     jax.ShapeDtypeStruct((NP, EDGE_DIM), jnp.float32)]
        scratch += [
            pltpu.VMEM((KE, EDGE_DIM), jnp.float32),
            pltpu.VMEM((RPT, EDGE_DIM), jnp.float32),
            pltpu.VMEM_SHARED((NP, EDGE_DIM), jnp.float32),
        ]

    def body(*refs):
        if with_ea:
            (t_hbm, src_hbm, dst_hbm, ea_hbm, s0, s1, e0, e1,
             sidx, didx, rows, zbuf, acc, sem, erows, ezbuf, eacc) = refs
        else:
            (t_hbm, src_hbm, dst_hbm, s0, s1,
             sidx, didx, rows, zbuf, acc, sem) = refs
        c = lax.axis_index("c")
        s = lax.axis_index("s")
        wid = s * NC + c
        zero16 = jnp.zeros((16,), jnp.float32)

        def zrow(i, _):
            for j in range(HID // 16):
                zbuf[i, pl.ds(j * 16, 16)] = zero16
            if with_ea:
                ezbuf[i, pl.ds(0, 16)] = zero16
            return 0

        lax.fori_loop(0, RPT, zrow, 0)
        rsl = pl.ds(s * RPT, RPT)
        pltpu.sync_copy(zbuf, acc.at[rsl, :])
        if with_ea:
            pltpu.sync_copy(ezbuf, eacc.at[rsl, :])
        plsc.subcore_barrier()

        ebase = wid * EPT

        def edge_chunk(i, _):
            b = ebase + i * KE
            pltpu.sync_copy(src_hbm.at[pl.ds(b, KE)], sidx)
            pltpu.async_copy(t_hbm.at[sidx], rows, sem).wait()
            pltpu.sync_copy(dst_hbm.at[pl.ds(b, KE)], didx)
            pltpu.sync_copy(rows, acc.at[didx], add=True)
            if with_ea:
                pltpu.sync_copy(ea_hbm.at[pl.ds(b, KE), :], erows)
                pltpu.sync_copy(erows, eacc.at[didx], add=True)
            return 0

        lax.fori_loop(0, EPT // KE, edge_chunk, 0)
        plsc.subcore_barrier()

        @pl.when(c == 0)
        def _():
            pltpu.sync_copy(acc.at[rsl, :], s0.at[rsl, :])
            if with_ea:
                pltpu.sync_copy(eacc.at[rsl, :], e0.at[rsl, :])

        @pl.when(c == 1)
        def _():
            pltpu.sync_copy(acc.at[rsl, :], s1.at[rsl, :])
            if with_ea:
                pltpu.sync_copy(eacc.at[rsl, :], e1.at[rsl, :])

    return pl.kernel(
        body, out_type=out_type, mesh=mesh, scratch_types=scratch,
        compiler_params=pltpu.CompilerParams(use_tc_tiling_on_sc=False))


@functools.lru_cache(maxsize=None)
def _get_sc_spmm(with_ea):
    return _make_sc_spmm(with_ea)


def _sc_spmm_ea(t, src, dst, ea):
    return _get_sc_spmm(True)(t, src, dst, ea)


def _sc_spmm(t, src, dst):
    return _get_sc_spmm(False)(t, src, dst)



def _tc_a_body(x, w1, b1, w2a, b2, o):
    m = jnp.dot(x[...], w1[...], preferred_element_type=jnp.float32) + b1[...]
    t = jnp.dot(m, w2a[...], preferred_element_type=jnp.float32) + b2[...]
    o[...] = jnp.concatenate(
        [t, jnp.zeros((NP - N, HID), jnp.float32)], axis=0)


def _aggr_update(s0, s1, e0, e1, gf, w2b, wua, wub, bu, g, bln):
    aggr = s0[...] + s1[...] + jnp.dot(
        e0[...] + e1[...], w2b[...], preferred_element_type=jnp.float32)
    u = jnp.dot(aggr, wua[...], preferred_element_type=jnp.float32)
    u = u + jnp.dot(gf[...], wub[...],
                    preferred_element_type=jnp.float32) + bu[...]
    return _ln(u, g[...], bln[...])


def _tc_b_body(s0, s1, e0, e1, gf, w2b, wua, wub, bu, g, bln,
               w1n, b1n, w2an, b2n, o):
    h = _aggr_update(s0, s1, e0, e1, gf, w2b, wua, wub, bu, g, bln)
    m = jnp.dot(h, w1n[...], preferred_element_type=jnp.float32) + b1n[...]
    o[...] = jnp.dot(m, w2an[...],
                     preferred_element_type=jnp.float32) + b2n[...]


def _tc_b3_body(s0, s1, e0, e1, gf, w2b, wua, wub, bu, g, bln,
                wr1, br1, g1, bl1, wr2, br2, g2, bl2, wr3, br3, o):
    h = _aggr_update(s0, s1, e0, e1, gf, w2b, wua, wub, bu, g, bln)
    rows = lax.broadcasted_iota(jnp.int32, (NP, 1), 0)
    pooled = jnp.sum(jnp.where(rows < N, h, 0.0), axis=0,
                     keepdims=True) * (1.0 / N)
    z = jnp.concatenate([pooled, gf[...]], axis=1)
    r = jnp.dot(z, wr1[...], preferred_element_type=jnp.float32) + br1[...]
    r = jax.nn.relu(_ln(r, g1[...], bl1[...]))
    r = jnp.dot(r, wr2[...], preferred_element_type=jnp.float32) + br2[...]
    r = jax.nn.relu(_ln(r, g2[...], bl2[...]))
    o[...] = jnp.dot(r, wr3[...], preferred_element_type=jnp.float32) + br3[...]


_f32 = jnp.float32
_tc_a = pl.pallas_call(
    _tc_a_body, out_shape=jax.ShapeDtypeStruct((NP, HID), _f32))
_tc_b = pl.pallas_call(
    _tc_b_body, out_shape=jax.ShapeDtypeStruct((NP, HID), _f32))
_tc_b3 = pl.pallas_call(
    _tc_b3_body, out_shape=jax.ShapeDtypeStruct((1, 1), _f32))


def _row(v):
    return v.reshape(1, -1)


def kernel(x, edge_attr, global_feature, params, edge_index, batch):
    src = edge_index[0]
    dst = edge_index[1]
    gf = global_feature
    lp = params["layers"]

    def pre(i):
        p = lp[i]
        return (p["W1"], _row(p["b1"]), p["W2"][:HID], _row(p["b2"]))

    def upd(i):
        p = lp[i]
        return (p["W2"][HID:], p["Wu"][:HID], p["Wu"][HID:], _row(p["bu"]),
                _row(p["g"]), _row(p["bln"]))

    t = _tc_a(x, *pre(0))
    s0, s1, e0, e1 = _sc_spmm_ea(t, src, dst, edge_attr)
    t = _tc_b(s0, s1, e0, e1, gf, *upd(0), *pre(1))
    s0, s1 = _sc_spmm(t, src, dst)
    t = _tc_b(s0, s1, e0, e1, gf, *upd(1), *pre(2))
    s0, s1 = _sc_spmm(t, src, dst)
    out = _tc_b3(s0, s1, e0, e1, gf, *upd(2),
                 params["Wr1"], _row(params["br1"]), _row(params["g1"]),
                 _row(params["bln1"]),
                 params["Wr2"], _row(params["br2"]), _row(params["g2"]),
                 _row(params["bln2"]),
                 params["Wr3"], _row(params["br3"]))
    return out[:, 0]

# --- scband reference (transcript-rebuilt; emitter-appended) ---
"""Pipeline reference for scband-advanced-delta-mlmodel-85873576116383 (READ-ONLY COPY).

The authoritative reference and input builder live on the scoring server;
editing this copy changes nothing except your own understanding.
"""

import jax, jax.numpy as jnp
import numpy as np

N = 10000
E = 320000
NODE_DIM = 128
EDGE_DIM = 16
GLOBAL_DIM = 16
HID = 64
N_LAYERS = 3
EPS = 1e-5


def _layer_norm(x, g, b):
    mu = jnp.mean(x, axis=-1, keepdims=True)
    var = jnp.mean((x - mu) ** 2, axis=-1, keepdims=True)
    return (x - mu) / jnp.sqrt(var + EPS) * g + b


def _lin_init(k, fin, fout):
    k1, k2 = jax.random.split(k)
    s = 1.0 / np.sqrt(fin)
    W = jax.random.uniform(k1, (fin, fout), minval=-s, maxval=s, dtype=jnp.float32)
    b = jax.random.uniform(k2, (fout,), minval=-s, maxval=s, dtype=jnp.float32)
    return W, b


def setup_inputs(seed: int = 0):
    key = jax.random.key(seed)
    ks = jax.random.split(key, 32)
    x = jax.random.normal(ks[0], (N, NODE_DIM), dtype=jnp.float32)
    edge_index = jax.random.randint(ks[1], (2, E), 0, N, dtype=jnp.int32)
    edge_attr = jax.random.normal(ks[2], (E, EDGE_DIM), dtype=jnp.float32)
    global_feature = jax.random.normal(ks[3], (1, GLOBAL_DIM), dtype=jnp.float32)
    batch = jnp.zeros((N,), dtype=jnp.int32)
    layers = []
    ki = 4
    for i in range(N_LAYERS):
        fin = NODE_DIM if i == 0 else HID
        W1, b1 = _lin_init(ks[ki], fin, HID); ki += 1
        W2, b2 = _lin_init(ks[ki], HID + EDGE_DIM, HID); ki += 1
        Wu, bu = _lin_init(ks[ki], HID + GLOBAL_DIM, HID); ki += 1
        layers.append({"W1": W1, "b1": b1, "W2": W2, "b2": b2, "Wu": Wu, "bu": bu,
                       "g": jnp.ones((HID,), jnp.float32), "bln": jnp.zeros((HID,), jnp.float32)})
    Wr1, br1 = _lin_init(ks[ki], HID + GLOBAL_DIM, HID); ki += 1
    Wr2, br2 = _lin_init(ks[ki], HID, HID // 2); ki += 1
    Wr3, br3 = _lin_init(ks[ki], HID // 2, 1); ki += 1
    params = {"layers": layers,
              "Wr1": Wr1, "br1": br1, "g1": jnp.ones((HID,), jnp.float32), "bln1": jnp.zeros((HID,), jnp.float32),
              "Wr2": Wr2, "br2": br2, "g2": jnp.ones((HID // 2,), jnp.float32), "bln2": jnp.zeros((HID // 2,), jnp.float32),
              "Wr3": Wr3, "br3": br3}
    return {"x": x, "edge_attr": edge_attr, "global_feature": global_feature,
            "params": params, "edge_index": edge_index, "batch": batch}


def _forward(x, edge_attr, global_feature, params, edge_index, batch):
    src = edge_index[0]
    dst = edge_index[1]
    n_graphs = global_feature.shape[0]
    h = x
    for lp in params["layers"]:
        xj = jnp.take(h, src, axis=0)
        m = xj @ lp["W1"] + lp["b1"]
        m = jnp.concatenate([m, edge_attr], axis=1) @ lp["W2"] + lp["b2"]
        aggr = jax.ops.segment_sum(m, dst, num_segments=N)
        eg = jnp.take(global_feature, batch, axis=0)
        out = jnp.concatenate([aggr, eg], axis=1) @ lp["Wu"] + lp["bu"]
        h = _layer_norm(out, lp["g"], lp["bln"])
    summed = jax.ops.segment_sum(h, batch, num_segments=n_graphs)
    counts = jax.ops.segment_sum(jnp.ones((h.shape[0], 1), jnp.float32), batch, num_segments=n_graphs)
    pooled = summed / jnp.maximum(counts, 1.0)
    out = jnp.concatenate([pooled, global_feature], axis=1)
    out = jax.nn.relu(_layer_norm(out @ params["Wr1"] + params["br1"], params["g1"], params["bln1"]))
    out = jax.nn.relu(_layer_norm(out @ params["Wr2"] + params["br2"], params["g2"], params["bln2"]))
    out = out @ params["Wr3"] + params["br3"]
    return out.squeeze(-1)


def reference(x, edge_attr, global_feature, params, edge_index, batch):
    return _forward(x, edge_attr, global_feature, params, edge_index, batch)

if __name__ == "__main__":
    import jax
    _d = setup_inputs()
    print(jax.jit(kernel)(*tuple(_d.values())))

</pallas_src>

<mosaic_0001>
#map = affine_map<(d0, d1) -> (0, 0)>
#map1 = affine_map<(d0, d1) -> (0)>
module attributes {stable_mosaic.version = 14 : i64} {
  func.func @body(%arg0: i32, %arg1: i32, %arg2: memref<10240x64xf32, #tpu.memory_space<hbm>>, %arg3: memref<320000xi32, #tpu.memory_space<hbm>>, %arg4: memref<320000xi32, #tpu.memory_space<hbm>>, %arg5: memref<10240x64xf32, #tpu.memory_space<hbm>>, %arg6: memref<10240x64xf32, #tpu.memory_space<hbm>>, %arg7: memref<80xi32, #tpu.memory_space<vmem>>, %arg8: memref<80xi32, #tpu.memory_space<vmem>>, %arg9: memref<80x64xf32, #tpu.memory_space<vmem>>, %arg10: memref<640x64xf32, #tpu.memory_space<vmem>>, %arg11: memref<10240x64xf32, #tpu.memory_space<vmem_shared>>, %arg12: memref<!tpu.dma_semaphore, #tpu.memory_space<semaphore_mem>>) attributes {dimension_semantics = [#tpu.dimension_semantics<core_parallel>, #tpu.dimension_semantics<subcore_parallel>], iteration_bounds = array<i64: 2, 16>, scalar_prefetch = 0 : i64, scratch_operands = 6 : i64, tpu.core_type = #tpu.core_type<sc_vector_subcore>, window_params = [{transform_indices = #map}, {transform_indices = #map1}, {transform_indices = #map1}, {transform_indices = #map}, {transform_indices = #map}]} {
    %mul3A = arith.constant 2 : i32
    %mul3A_0 = arith.muli %arg1, %mul3A : i32
    %add3A = arith.addi %mul3A_0, %arg0 : i32
    %broadcast_in_dim3A = arith.constant 0.000000e+00 : f32
    %broadcast_in_dim3A_1 = vector.broadcast %broadcast_in_dim3A : f32 to vector<16xf32>
    %scan3A = arith.constant 0 : i32
    %scan3A_2 = arith.constant 0 : i32
    %scan3A_3 = arith.constant 640 : i32
    %scan3A_4 = arith.addi %scan3A_2, %scan3A_3 : i32
    %scan3A_5 = arith.constant 1 : i32
    %scan3A_6 = scf.for %scan3A_27 = %scan3A_2 to %scan3A_4 step %scan3A_5 iter_args(%scan3A_28 = %scan3A) -> (i32)  : i32 {
      %swap3A = arith.index_cast %scan3A_27 : i32 to index
      %swap3A_29 = arith.constant 0 : index
      %swap3A_30 = tpu.vector_load %arg10[%swap3A, %swap3A_29] {strides = array<i32>} : memref<640x64xf32, #tpu.memory_space<vmem>>, vector<1x16xf32>,
      %swap3A_31 = vector.shape_cast %swap3A_30 : vector<1x16xf32> to vector<16xf32>
      %swap3A_32 = vector.shape_cast %broadcast_in_dim3A_1 : vector<16xf32> to vector<1x16xf32>
      tpu.vector_store %arg10[%swap3A, %swap3A_29], %swap3A_32 {strides = array<i32>} : memref<640x64xf32, #tpu.memory_space<vmem>>, vector<1x16xf32>,
      %swap3A_33 = arith.index_cast %scan3A_27 : i32 to index
      %swap3A_34 = arith.constant 16 : index
      %swap3A_35 = tpu.vector_load %arg10[%swap3A_33, %swap3A_34] {strides = array<i32>} : memref<640x64xf32, #tpu.memory_space<vmem>>, vector<1x16xf32>,
      %swap3A_36 = vector.shape_cast %swap3A_35 : vector<1x16xf32> to vector<16xf32>
      %swap3A_37 = vector.shape_cast %broadcast_in_dim3A_1 : vector<16xf32> to vector<1x16xf32>
      tpu.vector_store %arg10[%swap3A_33, %swap3A_34], %swap3A_37 {strides = array<i32>} : memref<640x64xf32, #tpu.memory_space<vmem>>, vector<1x16xf32>,
      %swap3A_38 = arith.index_cast %scan3A_27 : i32 to index
      %swap3A_39 = arith.constant 32 : index
      %swap3A_40 = tpu.vector_load %arg10[%swap3A_38, %swap3A_39] {strides = array<i32>} : memref<640x64xf32, #tpu.memory_space<vmem>>, vector<1x16xf32>,
      %swap3A_41 = vector.shape_cast %swap3A_40 : vector<1x16xf32> to vector<16xf32>
      %swap3A_42 = vector.shape_cast %broadcast_in_dim3A_1 : vector<16xf32> to vector<1x16xf32>
      tpu.vector_store %arg10[%swap3A_38, %swap3A_39], %swap3A_42 {strides = array<i32>} : memref<640x64xf32, #tpu.memory_space<vmem>>, vector<1x16xf32>,
      %swap3A_43 = arith.index_cast %scan3A_27 : i32 to index
      %swap3A_44 = arith.constant 48 : index
      %swap3A_45 = tpu.vector_load %arg10[%swap3A_43, %swap3A_44] {strides = array<i32>} : memref<640x64xf32, #tpu.memory_space<vmem>>, vector<1x16xf32>,
      %swap3A_46 = vector.shape_cast %swap3A_45 : vector<1x16xf32> to vector<16xf32>
      %swap3A_47 = vector.shape_cast %broadcast_in_dim3A_1 : vector<16xf32> to vector<1x16xf32>
      tpu.vector_store %arg10[%swap3A_43, %swap3A_44], %swap3A_47 {strides = array<i32>} : memref<640x64xf32, #tpu.memory_space<vmem>>, vector<1x16xf32>,
      %scan3A_48 = arith.constant 0 : i32
      scf.yield %scan3A_48 : i32
    }
    %scan3A_7 = arith.constant 640 : i32
    %mul3A_8 = arith.constant 640 : i32
    %mul3A_9 = arith.muli %arg1, %mul3A_8 : i32
    "tpu.region"() ({
      %run_scoped3A = tpu.sem_alloc : memref<!tpu.dma_semaphore, #tpu.memory_space<semaphore_mem>>
      %dma_start3A = arith.constant 0 : i32
      %dma_start3A_27 = tpu.memref_slice %arg11[%mul3A_9, %dma_start3A] : memref<10240x64xf32, #tpu.memory_space<vmem_shared>> -> memref<640x64xf32, #tpu.memory_space<vmem_shared>>
      %dma_start3A_28 = arith.constant 0 : i32
      %dma_start3A_29 = tpu.memref_slice %arg11[%mul3A_9, %dma_start3A_28] : memref<10240x64xf32, #tpu.memory_space<vmem_shared>> -> memref<640x64xf32, #tpu.memory_space<vmem_shared>>
      tpu.enqueue_dma source(%arg10 : memref<640x64xf32, #tpu.memory_space<vmem>>) target(%dma_start3A_29 : memref<640x64xf32, #tpu.memory_space<vmem_shared>>) target_semaphore(%run_scoped3A : memref<!tpu.dma_semaphore, #tpu.memory_space<semaphore_mem>>)
      %dma_wait3A = arith.constant 0 : i32
      %dma_wait3A_30 = tpu.memref_slice %arg11[%mul3A_9, %dma_wait3A] : memref<10240x64xf32, #tpu.memory_space<vmem_shared>> -> memref<640x64xf32, #tpu.memory_space<vmem_shared>>
      %dma_wait3A_31 = arith.constant 0 : i32
      %dma_wait3A_32 = tpu.memref_slice %arg11[%mul3A_9, %dma_wait3A_31] : memref<10240x64xf32, #tpu.memory_space<vmem_shared>> -> memref<640x64xf32, #tpu.memory_space<vmem_shared>>
      tpu.wait_dma2 semaphore(%run_scoped3A : memref<!tpu.dma_semaphore, #tpu.memory_space<semaphore_mem>>) src(%arg10 : memref<640x64xf32, #tpu.memory_space<vmem>>) dst(%dma_wait3A_32 : memref<640x64xf32, #tpu.memory_space<vmem_shared>>)
      tpu.yield
    }) : () -> ()
    %barrier3A = arith.constant 0 : index
    tpu.barrier barrier_id(%barrier3A)
    %mul3A_10 = arith.constant 10000 : i32
    %mul3A_11 = arith.muli %add3A, %mul3A_10 : i32
    %scan3A_12 = arith.constant 0 : i32
    %scan3A_13 = arith.constant 0 : i32
    %scan3A_14 = arith.constant 125 : i32
    %scan3A_15 = arith.addi %scan3A_13, %scan3A_14 : i32
    %scan3A_16 = arith.constant 1 : i32
    %scan3A_17 = scf.for %scan3A_27 = %scan3A_13 to %scan3A_15 step %scan3A_16 iter_args(%scan3A_28 = %scan3A_12) -> (i32)  : i32 {
      %mul3A_29 = arith.constant 80 : i32
      %mul3A_30 = arith.muli %scan3A_27, %mul3A_29 : i32
      %add3A_31 = arith.addi %mul3A_11, %mul3A_30 : i32
      "tpu.region"() ({
        %run_scoped3A = tpu.sem_alloc : memref<!tpu.dma_semaphore, #tpu.memory_space<semaphore_mem>>
        %dma_start3A_37 = tpu.memref_slice %arg3[%add3A_31] : memref<320000xi32, #tpu.memory_space<hbm>> -> memref<80xi32, #tpu.memory_space<hbm>>
        %dma_start3A_38 = tpu.memref_slice %arg3[%add3A_31] : memref<320000xi32, #tpu.memory_space<hbm>> -> memref<80xi32, #tpu.memory_space<hbm>>
        tpu.enqueue_dma source(%dma_start3A_38 : memref<80xi32, #tpu.memory_space<hbm>>) target(%arg7 : memref<80xi32, #tpu.memory_space<vmem>>) target_semaphore(%run_scoped3A : memref<!tpu.dma_semaphore, #tpu.memory_space<semaphore_mem>>)
        %dma_wait3A_39 = tpu.memref_slice %arg3[%add3A_31] : memref<320000xi32, #tpu.memory_space<hbm>> -> memref<80xi32, #tpu.memory_space<hbm>>
        %dma_wait3A_40 = tpu.memref_slice %arg3[%add3A_31] : memref<320000xi32, #tpu.memory_space<hbm>> -> memref<80xi32, #tpu.memory_space<hbm>>
        tpu.wait_dma2 semaphore(%run_scoped3A : memref<!tpu.dma_semaphore, #tpu.memory_space<semaphore_mem>>) src(%dma_wait3A_40 : memref<80xi32, #tpu.memory_space<hbm>>) dst(%arg7 : memref<80xi32, #tpu.memory_space<vmem>>)
        tpu.yield
      }) : () -> ()
      %dma_start3A = arith.constant 0 : i32
      %dma_start3A_32 = arith.constant 0 : i32
      %dma_start3A_33 = tpu.memref_slice %arg2[%dma_start3A, %dma_start3A_32] : memref<10240x64xf32, #tpu.memory_space<hbm>> -> memref<10240x64xf32, #tpu.memory_space<hbm>>
      tpu.enqueue_indirect_dma source(%dma_start3A_33 : memref<10240x64xf32, #tpu.memory_space<hbm>>) target(%arg9 : memref<80x64xf32, #tpu.memory_space<vmem>>) offsets(%arg7 : memref<80xi32, #tpu.memory_space<vmem>>) semaphore(%arg12 : memref<!tpu.dma_semaphore, #tpu.memory_space<semaphore_mem>>)
      %dma_wait3A = arith.constant 0 : i32
      %dma_wait3A_34 = arith.constant 0 : i32
      %dma_wait3A_35 = tpu.memref_slice %arg2[%dma_wait3A, %dma_wait3A_34] : memref<10240x64xf32, #tpu.memory_space<hbm>> -> memref<10240x64xf32, #tpu.memory_space<hbm>>
      tpu.wait_indirect_dma semaphore(%arg12 : memref<!tpu.dma_semaphore, #tpu.memory_space<semaphore_mem>>) src(%dma_wait3A_35 : memref<10240x64xf32, #tpu.memory_space<hbm>>) dst(%arg9 : memref<80x64xf32, #tpu.memory_space<vmem>>)
      "tpu.region"() ({
        %run_scoped3A = tpu.sem_alloc : memref<!tpu.dma_semaphore, #tpu.memory_space<semaphore_mem>>
        %dma_start3A_37 = tpu.memref_slice %arg4[%add3A_31] : memref<320000xi32, #tpu.memory_space<hbm>> -> memref<80xi32, #tpu.memory_space<hbm>>
        %dma_start3A_38 = tpu.memref_slice %arg4[%add3A_31] : memref<320000xi32, #tpu.memory_space<hbm>> -> memref<80xi32, #tpu.memory_space<hbm>>
        tpu.enqueue_dma source(%dma_start3A_38 : memref<80xi32, #tpu.memory_space<hbm>>) target(%arg8 : memref<80xi32, #tpu.memory_space<vmem>>) target_semaphore(%run_scoped3A : memref<!tpu.dma_semaphore, #tpu.memory_space<semaphore_mem>>)
        %dma_wait3A_39 = tpu.memref_slice %arg4[%add3A_31] : memref<320000xi32, #tpu.memory_space<hbm>> -> memref<80xi32, #tpu.memory_space<hbm>>
        %dma_wait3A_40 = tpu.memref_slice %arg4[%add3A_31] : memref<320000xi32, #tpu.memory_space<hbm>> -> memref<80xi32, #tpu.memory_space<hbm>>
        tpu.wait_dma2 semaphore(%run_scoped3A : memref<!tpu.dma_semaphore, #tpu.memory_space<semaphore_mem>>) src(%dma_wait3A_40 : memref<80xi32, #tpu.memory_space<hbm>>) dst(%arg8 : memref<80xi32, #tpu.memory_space<vmem>>)
        tpu.yield
      }) : () -> ()
      "tpu.region"() ({
        %run_scoped3A = tpu.sem_alloc : memref<!tpu.dma_semaphore, #tpu.memory_space<semaphore_mem>>
        %dma_start3A_37 = arith.constant 0 : i32
        %dma_start3A_38 = arith.constant 0 : i32
        %dma_start3A_39 = tpu.memref_slice %arg11[%dma_start3A_37, %dma_start3A_38] : memref<10240x64xf32, #tpu.memory_space<vmem_shared>> -> memref<10240x64xf32, #tpu.memory_space<vmem_shared>>
        tpu.enqueue_indirect_dma source(%arg9 : memref<80x64xf32, #tpu.memory_space<vmem>>) target(%dma_start3A_39 : memref<10240x64xf32, #tpu.memory_space<vmem_shared>>) offsets(%arg8 : memref<80xi32, #tpu.memory_space<vmem>>) semaphore(%run_scoped3A : memref<!tpu.dma_semaphore, #tpu.memory_space<semaphore_mem>>) {add = true}
        %dma_wait3A_40 = arith.constant 0 : i32
        %dma_wait3A_41 = arith.constant 0 : i32
        %dma_wait3A_42 = tpu.memref_slice %arg11[%dma_wait3A_40, %dma_wait3A_41] : memref<10240x64xf32, #tpu.memory_space<vmem_shared>> -> memref<10240x64xf32, #tpu.memory_space<vmem_shared>>
        tpu.wait_indirect_dma semaphore(%run_scoped3A : memref<!tpu.dma_semaphore, #tpu.memory_space<semaphore_mem>>) src(%arg9 : memref<80x64xf32, #tpu.memory_space<vmem>>) dst(%dma_wait3A_42 : memref<10240x64xf32, #tpu.memory_space<vmem_shared>>)
        tpu.yield
      }) : () -> ()
      %scan3A_36 = arith.constant 0 : i32
      scf.yield %scan3A_36 : i32
    }
    %scan3A_18 = arith.constant 125 : i32
    %barrier3A_19 = arith.constant 0 : index
    tpu.barrier barrier_id(%barrier3A_19)
    %eq3A = arith.constant 0 : i32
    %eq3A_20 = arith.cmpi eq, %arg0, %eq3A : i32
    %convert_element_type3A = arith.extui %eq3A_20 : i1 to i32
    %cond3A = arith.constant 0 : i32
    %cond3A_21 = arith.cmpi ne, %convert_element_type3A, %cond3A : i32
    scf.if %cond3A_21 {
      "tpu.region"() ({
        %run_scoped3A = tpu.sem_alloc : memref<!tpu.dma_semaphore, #tpu.memory_space<semaphore_mem>>
        %dma_start3A = arith.constant 0 : i32
        %dma_start3A_27 = tpu.memref_slice %arg5[%mul3A_9, %dma_start3A] : memref<10240x64xf32, #tpu.memory_space<hbm>> -> memref<640x64xf32, #tpu.memory_space<hbm>>
        %dma_start3A_28 = arith.constant 0 : i32
        %dma_start3A_29 = tpu.memref_slice %arg11[%mul3A_9, %dma_start3A_28] : memref<10240x64xf32, #tpu.memory_space<vmem_shared>> -> memref<640x64xf32, #tpu.memory_space<vmem_shared>>
        tpu.enqueue_dma source(%dma_start3A_29 : memref<640x64xf32, #tpu.memory_space<vmem_shared>>) target(%dma_start3A_27 : memref<640x64xf32, #tpu.memory_space<hbm>>) target_semaphore(%run_scoped3A : memref<!tpu.dma_semaphore, #tpu.memory_space<semaphore_mem>>)
        %dma_wait3A = arith.constant 0 : i32
        %dma_wait3A_30 = tpu.memref_slice %arg5[%mul3A_9, %dma_wait3A] : memref<10240x64xf32, #tpu.memory_space<hbm>> -> memref<640x64xf32, #tpu.memory_space<hbm>>
        %dma_wait3A_31 = arith.constant 0 : i32
        %dma_wait3A_32 = tpu.memref_slice %arg11[%mul3A_9, %dma_wait3A_31] : memref<10240x64xf32, #tpu.memory_space<vmem_shared>> -> memref<640x64xf32, #tpu.memory_space<vmem_shared>>
        tpu.wait_dma2 semaphore(%run_scoped3A : memref<!tpu.dma_semaphore, #tpu.memory_space<semaphore_mem>>) src(%dma_wait3A_32 : memref<640x64xf32, #tpu.memory_space<vmem_shared>>) dst(%dma_wait3A_30 : memref<640x64xf32, #tpu.memory_space<hbm>>)
        tpu.yield
      }) : () -> ()
    } else {
    }
    %eq3A_22 = arith.constant 1 : i32
    %eq3A_23 = arith.cmpi eq, %arg0, %eq3A_22 : i32
    %convert_element_type3A_24 = arith.extui %eq3A_23 : i1 to i32
    %cond3A_25 = arith.constant 0 : i32
    %cond3A_26 = arith.cmpi ne, %convert_element_type3A_24, %cond3A_25 : i32
    scf.if %cond3A_26 {
      "tpu.region"() ({
        %run_scoped3A = tpu.sem_alloc : memref<!tpu.dma_semaphore, #tpu.memory_space<semaphore_mem>>
        %dma_start3A = arith.constant 0 : i32
        %dma_start3A_27 = tpu.memref_slice %arg6[%mul3A_9, %dma_start3A] : memref<10240x64xf32, #tpu.memory_space<hbm>> -> memref<640x64xf32, #tpu.memory_space<hbm>>
        %dma_start3A_28 = arith.constant 0 : i32
        %dma_start3A_29 = tpu.memref_slice %arg11[%mul3A_9, %dma_start3A_28] : memref<10240x64xf32, #tpu.memory_space<vmem_shared>> -> memref<640x64xf32, #tpu.memory_space<vmem_shared>>
        tpu.enqueue_dma source(%dma_start3A_29 : memref<640x64xf32, #tpu.memory_space<vmem_shared>>) target(%dma_start3A_27 : memref<640x64xf32, #tpu.memory_space<hbm>>) target_semaphore(%run_scoped3A : memref<!tpu.dma_semaphore, #tpu.memory_space<semaphore_mem>>)
        %dma_wait3A = arith.constant 0 : i32
        %dma_wait3A_30 = tpu.memref_slice %arg6[%mul3A_9, %dma_wait3A] : memref<10240x64xf32, #tpu.memory_space<hbm>> -> memref<640x64xf32, #tpu.memory_space<hbm>>
        %dma_wait3A_31 = arith.constant 0 : i32
        %dma_wait3A_32 = tpu.memref_slice %arg11[%mul3A_9, %dma_wait3A_31] : memref<10240x64xf32, #tpu.memory_space<vmem_shared>> -> memref<640x64xf32, #tpu.memory_space<vmem_shared>>
        tpu.wait_dma2 semaphore(%run_scoped3A : memref<!tpu.dma_semaphore, #tpu.memory_space<semaphore_mem>>) src(%dma_wait3A_32 : memref<640x64xf32, #tpu.memory_space<vmem_shared>>) dst(%dma_wait3A_30 : memref<640x64xf32, #tpu.memory_space<hbm>>)
        tpu.yield
      }) : () -> ()
    } else {
    }
    return
  }
}

#map = affine_map<(d0, d1) -> (0, 0)>
#map1 = affine_map<(d0, d1) -> (0)>
module attributes {stable_mosaic.version = 14 : i64} {
  func.func @body(%arg0: i32, %arg1: i32, %arg2: memref<10240x64xf32, #tpu.memory_space<hbm>>, %arg3: memref<320000xi32, #tpu.memory_space<hbm>>, %arg4: memref<320000xi32, #tpu.memory_space<hbm>>, %arg5: memref<10240x64xf32, #tpu.memory_space<hbm>>, %arg6: memref<10240x64xf32, #tpu.memory_space<hbm>>, %arg7: memref<80xi32, #tpu.memory_space<vmem>>, %arg8: memref<80xi32, #tpu.memory_space<vmem>>, %arg9: memref<80x64xf32, #tpu.memory_space<vmem>>, %arg10: memref<640x64xf32, #tpu.memory_space<vmem>>, %arg11: memref<10240x64xf32, #tpu.memory_space<vmem_shared>>, %arg12: memref<!tpu.dma_semaphore, #tpu.memory_space<semaphore_mem>>) attributes {dimension_semantics = [#tpu.dimension_semantics<core_parallel>, #tpu.dimension_semantics<subcore_parallel>], iteration_bounds = array<i64: 2, 16>, scalar_prefetch = 0 : i64, scratch_operands = 6 : i64, tpu.core_type = #tpu.core_type<sc_vector_subcore>, window_params = [{transform_indices = #map}, {transform_indices = #map1}, {transform_indices = #map1}, {transform_indices = #map}, {transform_indices = #map}]} {
    %mul3A = arith.constant 2 : i32
    %mul3A_0 = arith.muli %arg1, %mul3A : i32
    %add3A = arith.addi %mul3A_0, %arg0 : i32
    %broadcast_in_dim3A = arith.constant 0.000000e+00 : f32
    %broadcast_in_dim3A_1 = vector.broadcast %broadcast_in_dim3A : f32 to vector<16xf32>
    %scan3A = arith.constant 0 : i32
    %scan3A_2 = arith.constant 0 : i32
    %scan3A_3 = arith.constant 640 : i32
    %scan3A_4 = arith.addi %scan3A_2, %scan3A_3 : i32
    %scan3A_5 = arith.constant 1 : i32
    %scan3A_6 = scf.for %scan3A_27 = %scan3A_2 to %scan3A_4 step %scan3A_5 iter_args(%scan3A_28 = %scan3A) -> (i32)  : i32 {
      %swap3A = arith.index_cast %scan3A_27 : i32 to index
      %swap3A_29 = arith.constant 0 : index
      %swap3A_30 = tpu.vector_load %arg10[%swap3A, %swap3A_29] {strides = array<i32>} : memref<640x64xf32, #tpu.memory_space<vmem>>, vector<1x16xf32>,
      %swap3A_31 = vector.shape_cast %swap3A_30 : vector<1x16xf32> to vector<16xf32>
      %swap3A_32 = vector.shape_cast %broadcast_in_dim3A_1 : vector<16xf32> to vector<1x16xf32>
      tpu.vector_store %arg10[%swap3A, %swap3A_29], %swap3A_32 {strides = array<i32>} : memref<640x64xf32, #tpu.memory_space<vmem>>, vector<1x16xf32>,
      %swap3A_33 = arith.index_cast %scan3A_27 : i32 to index
      %swap3A_34 = arith.constant 16 : index
      %swap3A_35 = tpu.vector_load %arg10[%swap3A_33, %swap3A_34] {strides = array<i32>} : memref<640x64xf32, #tpu.memory_space<vmem>>, vector<1x16xf32>,
      %swap3A_36 = vector.shape_cast %swap3A_35 : vector<1x16xf32> to vector<16xf32>
      %swap3A_37 = vector.shape_cast %broadcast_in_dim3A_1 : vector<16xf32> to vector<1x16xf32>
      tpu.vector_store %arg10[%swap3A_33, %swap3A_34], %swap3A_37 {strides = array<i32>} : memref<640x64xf32, #tpu.memory_space<vmem>>, vector<1x16xf32>,
      %swap3A_38 = arith.index_cast %scan3A_27 : i32 to index
      %swap3A_39 = arith.constant 32 : index
      %swap3A_40 = tpu.vector_load %arg10[%swap3A_38, %swap3A_39] {strides = array<i32>} : memref<640x64xf32, #tpu.memory_space<vmem>>, vector<1x16xf32>,
      %swap3A_41 = vector.shape_cast %swap3A_40 : vector<1x16xf32> to vector<16xf32>
      %swap3A_42 = vector.shape_cast %broadcast_in_dim3A_1 : vector<16xf32> to vector<1x16xf32>
      tpu.vector_store %arg10[%swap3A_38, %swap3A_39], %swap3A_42 {strides = array<i32>} : memref<640x64xf32, #tpu.memory_space<vmem>>, vector<1x16xf32>,
      %swap3A_43 = arith.index_cast %scan3A_27 : i32 to index
      %swap3A_44 = arith.constant 48 : index
      %swap3A_45 = tpu.vector_load %arg10[%swap3A_43, %swap3A_44] {strides = array<i32>} : memref<640x64xf32, #tpu.memory_space<vmem>>, vector<1x16xf32>,
      %swap3A_46 = vector.shape_cast %swap3A_45 : vector<1x16xf32> to vector<16xf32>
      %swap3A_47 = vector.shape_cast %broadcast_in_dim3A_1 : vector<16xf32> to vector<1x16xf32>
      tpu.vector_store %arg10[%swap3A_43, %swap3A_44], %swap3A_47 {strides = array<i32>} : memref<640x64xf32, #tpu.memory_space<vmem>>, vector<1x16xf32>,
      %scan3A_48 = arith.constant 0 : i32
      scf.yield %scan3A_48 : i32
    }
    %scan3A_7 = arith.constant 640 : i32
    %mul3A_8 = arith.constant 640 : i32
    %mul3A_9 = arith.muli %arg1, %mul3A_8 : i32
    "tpu.region"() ({
      %run_scoped3A = tpu.sem_alloc : memref<!tpu.dma_semaphore, #tpu.memory_space<semaphore_mem>>
      %dma_start3A = arith.constant 0 : i32
      %dma_start3A_27 = tpu.memref_slice %arg11[%mul3A_9, %dma_start3A] : memref<10240x64xf32, #tpu.memory_space<vmem_shared>> -> memref<640x64xf32, #tpu.memory_space<vmem_shared>>
      %dma_start3A_28 = arith.constant 0 : i32
      %dma_start3A_29 = tpu.memref_slice %arg11[%mul3A_9, %dma_start3A_28] : memref<10240x64xf32, #tpu.memory_space<vmem_shared>> -> memref<640x64xf32, #tpu.memory_space<vmem_shared>>
      tpu.enqueue_dma source(%arg10 : memref<640x64xf32, #tpu.memory_space<vmem>>) target(%dma_start3A_29 : memref<640x64xf32, #tpu.memory_space<vmem_shared>>) target_semaphore(%run_scoped3A : memref<!tpu.dma_semaphore, #tpu.memory_space<semaphore_mem>>)
      %dma_wait3A = arith.constant 0 : i32
      %dma_wait3A_30 = tpu.memref_slice %arg11[%mul3A_9, %dma_wait3A] : memref<10240x64xf32, #tpu.memory_space<vmem_shared>> -> memref<640x64xf32, #tpu.memory_space<vmem_shared>>
      %dma_wait3A_31 = arith.constant 0 : i32
      %dma_wait3A_32 = tpu.memref_slice %arg11[%mul3A_9, %dma_wait3A_31] : memref<10240x64xf32, #tpu.memory_space<vmem_shared>> -> memref<640x64xf32, #tpu.memory_space<vmem_shared>>
      tpu.wait_dma2 semaphore(%run_scoped3A : memref<!tpu.dma_semaphore, #tpu.memory_space<semaphore_mem>>) src(%arg10 : memref<640x64xf32, #tpu.memory_space<vmem>>) dst(%dma_wait3A_32 : memref<640x64xf32, #tpu.memory_space<vmem_shared>>)
      tpu.yield
    }) : () -> ()
    %barrier3A = arith.constant 0 : index
    tpu.barrier barrier_id(%barrier3A)
    %mul3A_10 = arith.constant 10000 : i32
    %mul3A_11 = arith.muli %add3A, %mul3A_10 : i32
    %scan3A_12 = arith.constant 0 : i32
    %scan3A_13 = arith.constant 0 : i32
    %scan3A_14 = arith.constant 125 : i32
    %scan3A_15 = arith.addi %scan3A_13, %scan3A_14 : i32
    %scan3A_16 = arith.constant 1 : i32
    %scan3A_17 = scf.for %scan3A_27 = %scan3A_13 to %scan3A_15 step %scan3A_16 iter_args(%scan3A_28 = %scan3A_12) -> (i32)  : i32 {
      %mul3A_29 = arith.constant 80 : i32
      %mul3A_30 = arith.muli %scan3A_27, %mul3A_29 : i32
      %add3A_31 = arith.addi %mul3A_11, %mul3A_30 : i32
      "tpu.region"() ({
        %run_scoped3A = tpu.sem_alloc : memref<!tpu.dma_semaphore, #tpu.memory_space<semaphore_mem>>
        %dma_start3A_37 = tpu.memref_slice %arg3[%add3A_31] : memref<320000xi32, #tpu.memory_space<hbm>> -> memref<80xi32, #tpu.memory_space<hbm>>
        %dma_start3A_38 = tpu.memref_slice %arg3[%add3A_31] : memref<320000xi32, #tpu.memory_space<hbm>> -> memref<80xi32, #tpu.memory_space<hbm>>
        tpu.enqueue_dma source(%dma_start3A_38 : memref<80xi32, #tpu.memory_space<hbm>>) target(%arg7 : memref<80xi32, #tpu.memory_space<vmem>>) target_semaphore(%run_scoped3A : memref<!tpu.dma_semaphore, #tpu.memory_space<semaphore_mem>>)
        %dma_wait3A_39 = tpu.memref_slice %arg3[%add3A_31] : memref<320000xi32, #tpu.memory_space<hbm>> -> memref<80xi32, #tpu.memory_space<hbm>>
        %dma_wait3A_40 = tpu.memref_slice %arg3[%add3A_31] : memref<320000xi32, #tpu.memory_space<hbm>> -> memref<80xi32, #tpu.memory_space<hbm>>
        tpu.wait_dma2 semaphore(%run_scoped3A : memref<!tpu.dma_semaphore, #tpu.memory_space<semaphore_mem>>) src(%dma_wait3A_40 : memref<80xi32, #tpu.memory_space<hbm>>) dst(%arg7 : memref<80xi32, #tpu.memory_space<vmem>>)
        tpu.yield
      }) : () -> ()
      %dma_start3A = arith.constant 0 : i32
      %dma_start3A_32 = arith.constant 0 : i32
      %dma_start3A_33 = tpu.memref_slice %arg2[%dma_start3A, %dma_start3A_32] : memref<10240x64xf32, #tpu.memory_space<hbm>> -> memref<10240x64xf32, #tpu.memory_space<hbm>>
      tpu.enqueue_indirect_dma source(%dma_start3A_33 : memref<10240x64xf32, #tpu.memory_space<hbm>>) target(%arg9 : memref<80x64xf32, #tpu.memory_space<vmem>>) offsets(%arg7 : memref<80xi32, #tpu.memory_space<vmem>>) semaphore(%arg12 : memref<!tpu.dma_semaphore, #tpu.memory_space<semaphore_mem>>)
      %dma_wait3A = arith.constant 0 : i32
      %dma_wait3A_34 = arith.constant 0 : i32
      %dma_wait3A_35 = tpu.memref_slice %arg2[%dma_wait3A, %dma_wait3A_34] : memref<10240x64xf32, #tpu.memory_space<hbm>> -> memref<10240x64xf32, #tpu.memory_space<hbm>>
      tpu.wait_indirect_dma semaphore(%arg12 : memref<!tpu.dma_semaphore, #tpu.memory_space<semaphore_mem>>) src(%dma_wait3A_35 : memref<10240x64xf32, #tpu.memory_space<hbm>>) dst(%arg9 : memref<80x64xf32, #tpu.memory_space<vmem>>)
      "tpu.region"() ({
        %run_scoped3A = tpu.sem_alloc : memref<!tpu.dma_semaphore, #tpu.memory_space<semaphore_mem>>
        %dma_start3A_37 = tpu.memref_slice %arg4[%add3A_31] : memref<320000xi32, #tpu.memory_space<hbm>> -> memref<80xi32, #tpu.memory_space<hbm>>
        %dma_start3A_38 = tpu.memref_slice %arg4[%add3A_31] : memref<320000xi32, #tpu.memory_space<hbm>> -> memref<80xi32, #tpu.memory_space<hbm>>
        tpu.enqueue_dma source(%dma_start3A_38 : memref<80xi32, #tpu.memory_space<hbm>>) target(%arg8 : memref<80xi32, #tpu.memory_space<vmem>>) target_semaphore(%run_scoped3A : memref<!tpu.dma_semaphore, #tpu.memory_space<semaphore_mem>>)
        %dma_wait3A_39 = tpu.memref_slice %arg4[%add3A_31] : memref<320000xi32, #tpu.memory_space<hbm>> -> memref<80xi32, #tpu.memory_space<hbm>>
        %dma_wait3A_40 = tpu.memref_slice %arg4[%add3A_31] : memref<320000xi32, #tpu.memory_space<hbm>> -> memref<80xi32, #tpu.memory_space<hbm>>
        tpu.wait_dma2 semaphore(%run_scoped3A : memref<!tpu.dma_semaphore, #tpu.memory_space<semaphore_mem>>) src(%dma_wait3A_40 : memref<80xi32, #tpu.memory_space<hbm>>) dst(%arg8 : memref<80xi32, #tpu.memory_space<vmem>>)
        tpu.yield
      }) : () -> ()
      "tpu.region"() ({
        %run_scoped3A = tpu.sem_alloc : memref<!tpu.dma_semaphore, #tpu.memory_space<semaphore_mem>>
        %dma_start3A_37 = arith.constant 0 : i32
        %dma_start3A_38 = arith.constant 0 : i32
        %dma_start3A_39 = tpu.memref_slice %arg11[%dma_start3A_37, %dma_start3A_38] : memref<10240x64xf32, #tpu.memory_space<vmem_shared>> -> memref<10240x64xf32, #tpu.memory_space<vmem_shared>>
        tpu.enqueue_indirect_dma source(%arg9 : memref<80x64xf32, #tpu.memory_space<vmem>>) target(%dma_start3A_39 : memref<10240x64xf32, #tpu.memory_space<vmem_shared>>) offsets(%arg8 : memref<80xi32, #tpu.memory_space<vmem>>) semaphore(%run_scoped3A : memref<!tpu.dma_semaphore, #tpu.memory_space<semaphore_mem>>) {add = true}
        %dma_wait3A_40 = arith.constant 0 : i32
        %dma_wait3A_41 = arith.constant 0 : i32
        %dma_wait3A_42 = tpu.memref_slice %arg11[%dma_wait3A_40, %dma_wait3A_41] : memref<10240x64xf32, #tpu.memory_space<vmem_shared>> -> memref<10240x64xf32, #tpu.memory_space<vmem_shared>>
        tpu.wait_indirect_dma semaphore(%run_scoped3A : memref<!tpu.dma_semaphore, #tpu.memory_space<semaphore_mem>>) src(%arg9 : memref<80x64xf32, #tpu.memory_space<vmem>>) dst(%dma_wait3A_42 : memref<10240x64xf32, #tpu.memory_space<vmem_shared>>)
        tpu.yield
      }) : () -> ()
      %scan3A_36 = arith.constant 0 : i32
      scf.yield %scan3A_36 : i32
    }
    %scan3A_18 = arith.constant 125 : i32
    %barrier3A_19 = arith.constant 0 : index
    tpu.barrier barrier_id(%barrier3A_19)
    %eq3A = arith.constant 0 : i32
    %eq3A_20 = arith.cmpi eq, %arg0, %eq3A : i32
    %convert_element_type3A = arith.extui %eq3A_20 : i1 to i32
    %cond3A = arith.constant 0 : i32
    %cond3A_21 = arith.cmpi ne, %convert_element_type3A, %cond3A : i32
    scf.if %cond3A_21 {
      "tpu.region"() ({
        %run_scoped3A = tpu.sem_alloc : memref<!tpu.dma_semaphore, #tpu.memory_space<semaphore_mem>>
        %dma_start3A = arith.constant 0 : i32
        %dma_start3A_27 = tpu.memref_slice %arg5[%mul3A_9, %dma_start3A] : memref<10240x64xf32, #tpu.memory_space<hbm>> -> memref<640x64xf32, #tpu.memory_space<hbm>>
        %dma_start3A_28 = arith.constant 0 : i32
        %dma_start3A_29 = tpu.memref_slice %arg11[%mul3A_9, %dma_start3A_28] : memref<10240x64xf32, #tpu.memory_space<vmem_shared>> -> memref<640x64xf32, #tpu.memory_space<vmem_shared>>
        tpu.enqueue_dma source(%dma_start3A_29 : memref<640x64xf32, #tpu.memory_space<vmem_shared>>) target(%dma_start3A_27 : memref<640x64xf32, #tpu.memory_space<hbm>>) target_semaphore(%run_scoped3A : memref<!tpu.dma_semaphore, #tpu.memory_space<semaphore_mem>>)
        %dma_wait3A = arith.constant 0 : i32
        %dma_wait3A_30 = tpu.memref_slice %arg5[%mul3A_9, %dma_wait3A] : memref<10240x64xf32, #tpu.memory_space<hbm>> -> memref<640x64xf32, #tpu.memory_space<hbm>>
        %dma_wait3A_31 = arith.constant 0 : i32
        %dma_wait3A_32 = tpu.memref_slice %arg11[%mul3A_9, %dma_wait3A_31] : memref<10240x64xf32, #tpu.memory_space<vmem_shared>> -> memref<640x64xf32, #tpu.memory_space<vmem_shared>>
        tpu.wait_dma2 semaphore(%run_scoped3A : memref<!tpu.dma_semaphore, #tpu.memory_space<semaphore_mem>>) src(%dma_wait3A_32 : memref<640x64xf32, #tpu.memory_space<vmem_shared>>) dst(%dma_wait3A_30 : memref<640x64xf32, #tpu.memory_space<hbm>>)
        tpu.yield
      }) : () -> ()
    } else {
    }
    %eq3A_22 = arith.constant 1 : i32
    %eq3A_23 = arith.cmpi eq, %arg0, %eq3A_22 : i32
    %convert_element_type3A_24 = arith.extui %eq3A_23 : i1 to i32
    %cond3A_25 = arith.constant 0 : i32
    %cond3A_26 = arith.cmpi ne, %convert_element_type3A_24, %cond3A_25 : i32
    scf.if %cond3A_26 {
      "tpu.region"() ({
        %run_scoped3A = tpu.sem_alloc : memref<!tpu.dma_semaphore, #tpu.memory_space<semaphore_mem>>
        %dma_start3A = arith.constant 0 : i32
        %dma_start3A_27 = tpu.memref_slice %arg6[%mul3A_9, %dma_start3A] : memref<10240x64xf32, #tpu.memory_space<hbm>> -> memref<640x64xf32, #tpu.memory_space<hbm>>
        %dma_start3A_28 = arith.constant 0 : i32
        %dma_start3A_29 = tpu.memref_slice %arg11[%mul3A_9, %dma_start3A_28] : memref<10240x64xf32, #tpu.memory_space<vmem_shared>> -> memref<640x64xf32, #tpu.memory_space<vmem_shared>>
        tpu.enqueue_dma source(%dma_start3A_29 : memref<640x64xf32, #tpu.memory_space<vmem_shared>>) target(%dma_start3A_27 : memref<640x64xf32, #tpu.memory_space<hbm>>) target_semaphore(%run_scoped3A : memref<!tpu.dma_semaphore, #tpu.memory_space<semaphore_mem>>)
        %dma_wait3A = arith.constant 0 : i32
        %dma_wait3A_30 = tpu.memref_slice %arg6[%mul3A_9, %dma_wait3A] : memref<10240x64xf32, #tpu.memory_space<hbm>> -> memref<640x64xf32, #tpu.memory_space<hbm>>
        %dma_wait3A_31 = arith.constant 0 : i32
        %dma_wait3A_32 = tpu.memref_slice %arg11[%mul3A_9, %dma_wait3A_31] : memref<10240x64xf32, #tpu.memory_space<vmem_shared>> -> memref<640x64xf32, #tpu.memory_space<vmem_shared>>
        tpu.wait_dma2 semaphore(%run_scoped3A : memref<!tpu.dma_semaphore, #tpu.memory_space<semaphore_mem>>) src(%dma_wait3A_32 : memref<640x64xf32, #tpu.memory_space<vmem_shared>>) dst(%dma_wait3A_30 : memref<640x64xf32, #tpu.memory_space<hbm>>)
        tpu.yield
      }) : () -> ()
    } else {
    }
    return
  }
}

#map = affine_map<(d0, d1) -> (0, 0)>
#map1 = affine_map<(d0, d1) -> (0)>
module attributes {stable_mosaic.version = 14 : i64} {
  func.func @body(%arg0: i32, %arg1: i32, %arg2: memref<10240x64xf32, #tpu.memory_space<hbm>>, %arg3: memref<320000xi32, #tpu.memory_space<hbm>>, %arg4: memref<320000xi32, #tpu.memory_space<hbm>>, %arg5: memref<320000x16xf32, #tpu.memory_space<hbm>>, %arg6: memref<10240x64xf32, #tpu.memory_space<hbm>>, %arg7: memref<10240x64xf32, #tpu.memory_space<hbm>>, %arg8: memref<10240x16xf32, #tpu.memory_space<hbm>>, %arg9: memref<10240x16xf32, #tpu.memory_space<hbm>>, %arg10: memref<80xi32, #tpu.memory_space<vmem>>, %arg11: memref<80xi32, #tpu.memory_space<vmem>>, %arg12: memref<80x64xf32, #tpu.memory_space<vmem>>, %arg13: memref<640x64xf32, #tpu.memory_space<vmem>>, %arg14: memref<10240x64xf32, #tpu.memory_space<vmem_shared>>, %arg15: memref<!tpu.dma_semaphore, #tpu.memory_space<semaphore_mem>>, %arg16: memref<80x16xf32, #tpu.memory_space<vmem>>, %arg17: memref<640x16xf32, #tpu.memory_space<vmem>>, %arg18: memref<10240x16xf32, #tpu.memory_space<vmem_shared>>) attributes {dimension_semantics = [#tpu.dimension_semantics<core_parallel>, #tpu.dimension_semantics<subcore_parallel>], iteration_bounds = array<i64: 2, 16>, scalar_prefetch = 0 : i64, scratch_operands = 9 : i64, tpu.core_type = #tpu.core_type<sc_vector_subcore>, window_params = [{transform_indices = #map}, {transform_indices = #map1}, {transform_indices = #map1}, {transform_indices = #map}, {transform_indices = #map}, {transform_indices = #map}, {transform_indices = #map}, {transform_indices = #map}]} {
    %mul3A = arith.constant 2 : i32
    %mul3A_0 = arith.muli %arg1, %mul3A : i32
    %add3A = arith.addi %mul3A_0, %arg0 : i32
    %broadcast_in_dim3A = arith.constant 0.000000e+00 : f32
    %broadcast_in_dim3A_1 = vector.broadcast %broadcast_in_dim3A : f32 to vector<16xf32>
    %scan3A = arith.constant 0 : i32
    %scan3A_2 = arith.constant 0 : i32
    %scan3A_3 = arith.constant 640 : i32
    %scan3A_4 = arith.addi %scan3A_2, %scan3A_3 : i32
    %scan3A_5 = arith.constant 1 : i32
    %scan3A_6 = scf.for %scan3A_27 = %scan3A_2 to %scan3A_4 step %scan3A_5 iter_args(%scan3A_28 = %scan3A) -> (i32)  : i32 {
      %swap3A = arith.index_cast %scan3A_27 : i32 to index
      %swap3A_29 = arith.constant 0 : index
      %swap3A_30 = tpu.vector_load %arg13[%swap3A, %swap3A_29] {strides = array<i32>} : memref<640x64xf32, #tpu.memory_space<vmem>>, vector<1x16xf32>,
      %swap3A_31 = vector.shape_cast %swap3A_30 : vector<1x16xf32> to vector<16xf32>
      %swap3A_32 = vector.shape_cast %broadcast_in_dim3A_1 : vector<16xf32> to vector<1x16xf32>
      tpu.vector_store %arg13[%swap3A, %swap3A_29], %swap3A_32 {strides = array<i32>} : memref<640x64xf32, #tpu.memory_space<vmem>>, vector<1x16xf32>,
      %swap3A_33 = arith.index_cast %scan3A_27 : i32 to index
      %swap3A_34 = arith.constant 16 : index
      %swap3A_35 = tpu.vector_load %arg13[%swap3A_33, %swap3A_34] {strides = array<i32>} : memref<640x64xf32, #tpu.memory_space<vmem>>, vector<1x16xf32>,
      %swap3A_36 = vector.shape_cast %swap3A_35 : vector<1x16xf32> to vector<16xf32>
      %swap3A_37 = vector.shape_cast %broadcast_in_dim3A_1 : vector<16xf32> to vector<1x16xf32>
      tpu.vector_store %arg13[%swap3A_33, %swap3A_34], %swap3A_37 {strides = array<i32>} : memref<640x64xf32, #tpu.memory_space<vmem>>, vector<1x16xf32>,
      %swap3A_38 = arith.index_cast %scan3A_27 : i32 to index
      %swap3A_39 = arith.constant 32 : index
      %swap3A_40 = tpu.vector_load %arg13[%swap3A_38, %swap3A_39] {strides = array<i32>} : memref<640x64xf32, #tpu.memory_space<vmem>>, vector<1x16xf32>,
      %swap3A_41 = vector.shape_cast %swap3A_40 : vector<1x16xf32> to vector<16xf32>
      %swap3A_42 = vector.shape_cast %broadcast_in_dim3A_1 : vector<16xf32> to vector<1x16xf32>
      tpu.vector_store %arg13[%swap3A_38, %swap3A_39], %swap3A_42 {strides = array<i32>} : memref<640x64xf32, #tpu.memory_space<vmem>>, vector<1x16xf32>,
      %swap3A_43 = arith.index_cast %scan3A_27 : i32 to index
      %swap3A_44 = arith.constant 48 : index
      %swap3A_45 = tpu.vector_load %arg13[%swap3A_43, %swap3A_44] {strides = array<i32>} : memref<640x64xf32, #tpu.memory_space<vmem>>, vector<1x16xf32>,
      %swap3A_46 = vector.shape_cast %swap3A_45 : vector<1x16xf32> to vector<16xf32>
      %swap3A_47 = vector.shape_cast %broadcast_in_dim3A_1 : vector<16xf32> to vector<1x16xf32>
      tpu.vector_store %arg13[%swap3A_43, %swap3A_44], %swap3A_47 {strides = array<i32>} : memref<640x64xf32, #tpu.memory_space<vmem>>, vector<1x16xf32>,
      %swap3A_48 = arith.index_cast %scan3A_27 : i32 to index
      %swap3A_49 = arith.constant 0 : index
      %swap3A_50 = tpu.vector_load %arg17[%swap3A_48, %swap3A_49] {strides = array<i32>} : memref<640x16xf32, #tpu.memory_space<vmem>>, vector<1x16xf32>,
      %swap3A_51 = vector.shape_cast %swap3A_50 : vector<1x16xf32> to vector<16xf32>
      %swap3A_52 = vector.shape_cast %broadcast_in_dim3A_1 : vector<16xf32> to vector<1x16xf32>
      tpu.vector_store %arg17[%swap3A_48, %swap3A_49], %swap3A_52 {strides = array<i32>} : memref<640x16xf32, #tpu.memory_space<vmem>>, vector<1x16xf32>,
      %scan3A_53 = arith.constant 0 : i32
      scf.yield %scan3A_53 : i32
    }
    %scan3A_7 = arith.constant 640 : i32
    %mul3A_8 = arith.constant 640 : i32
    %mul3A_9 = arith.muli %arg1, %mul3A_8 : i32
    "tpu.region"() ({
      %run_scoped3A = tpu.sem_alloc : memref<!tpu.dma_semaphore, #tpu.memory_space<semaphore_mem>>
      %dma_start3A = arith.constant 0 : i32
      %dma_start3A_27 = tpu.memref_slice %arg14[%mul3A_9, %dma_start3A] : memref<10240x64xf32, #tpu.memory_space<vmem_shared>> -> memref<640x64xf32, #tpu.memory_space<vmem_shared>>
      %dma_start3A_28 = arith.constant 0 : i32
      %dma_start3A_29 = tpu.memref_slice %arg14[%mul3A_9, %dma_start3A_28] : memref<10240x64xf32, #tpu.memory_space<vmem_shared>> -> memref<640x64xf32, #tpu.memory_space<vmem_shared>>
      tpu.enqueue_dma source(%arg13 : memref<640x64xf32, #tpu.memory_space<vmem>>) target(%dma_start3A_29 : memref<640x64xf32, #tpu.memory_space<vmem_shared>>) target_semaphore(%run_scoped3A : memref<!tpu.dma_semaphore, #tpu.memory_space<semaphore_mem>>)
      %dma_wait3A = arith.constant 0 : i32
      %dma_wait3A_30 = tpu.memref_slice %arg14[%mul3A_9, %dma_wait3A] : memref<10240x64xf32, #tpu.memory_space<vmem_shared>> -> memref<640x64xf32, #tpu.memory_space<vmem_shared>>
      %dma_wait3A_31 = arith.constant 0 : i32
      %dma_wait3A_32 = tpu.memref_slice %arg14[%mul3A_9, %dma_wait3A_31] : memref<10240x64xf32, #tpu.memory_space<vmem_shared>> -> memref<640x64xf32, #tpu.memory_space<vmem_shared>>
      tpu.wait_dma2 semaphore(%run_scoped3A : memref<!tpu.dma_semaphore, #tpu.memory_space<semaphore_mem>>) src(%arg13 : memref<640x64xf32, #tpu.memory_space<vmem>>) dst(%dma_wait3A_32 : memref<640x64xf32, #tpu.memory_space<vmem_shared>>)
      tpu.yield
    }) : () -> ()
    "tpu.region"() ({
      %run_scoped3A = tpu.sem_alloc : memref<!tpu.dma_semaphore, #tpu.memory_space<semaphore_mem>>
      %dma_start3A = arith.constant 0 : i32
      %dma_start3A_27 = tpu.memref_slice %arg18[%mul3A_9, %dma_start3A] : memref<10240x16xf32, #tpu.memory_space<vmem_shared>> -> memref<640x16xf32, #tpu.memory_space<vmem_shared>>
      %dma_start3A_28 = arith.constant 0 : i32
      %dma_start3A_29 = tpu.memref_slice %arg18[%mul3A_9, %dma_start3A_28] : memref<10240x16xf32, #tpu.memory_space<vmem_shared>> -> memref<640x16xf32, #tpu.memory_space<vmem_shared>>
      tpu.enqueue_dma source(%arg17 : memref<640x16xf32, #tpu.memory_space<vmem>>) target(%dma_start3A_29 : memref<640x16xf32, #tpu.memory_space<vmem_shared>>) target_semaphore(%run_scoped3A : memref<!tpu.dma_semaphore, #tpu.memory_space<semaphore_mem>>)
      %dma_wait3A = arith.constant 0 : i32
      %dma_wait3A_30 = tpu.memref_slice %arg18[%mul3A_9, %dma_wait3A] : memref<10240x16xf32, #tpu.memory_space<vmem_shared>> -> memref<640x16xf32, #tpu.memory_space<vmem_shared>>
      %dma_wait3A_31 = arith.constant 0 : i32
      %dma_wait3A_32 = tpu.memref_slice %arg18[%mul3A_9, %dma_wait3A_31] : memref<10240x16xf32, #tpu.memory_space<vmem_shared>> -> memref<640x16xf32, #tpu.memory_space<vmem_shared>>
      tpu.wait_dma2 semaphore(%run_scoped3A : memref<!tpu.dma_semaphore, #tpu.memory_space<semaphore_mem>>) src(%arg17 : memref<640x16xf32, #tpu.memory_space<vmem>>) dst(%dma_wait3A_32 : memref<640x16xf32, #tpu.memory_space<vmem_shared>>)
      tpu.yield
    }) : () -> ()
    %barrier3A = arith.constant 0 : index
    tpu.barrier barrier_id(%barrier3A)
    %mul3A_10 = arith.constant 10000 : i32
    %mul3A_11 = arith.muli %add3A, %mul3A_10 : i32
    %scan3A_12 = arith.constant 0 : i32
    %scan3A_13 = arith.constant 0 : i32
    %scan3A_14 = arith.constant 125 : i32
    %scan3A_15 = arith.addi %scan3A_13, %scan3A_14 : i32
    %scan3A_16 = arith.constant 1 : i32
    %scan3A_17 = scf.for %scan3A_27 = %scan3A_13 to %scan3A_15 step %scan3A_16 iter_args(%scan3A_28 = %scan3A_12) -> (i32)  : i32 {
      %mul3A_29 = arith.constant 80 : i32
      %mul3A_30 = arith.muli %scan3A_27, %mul3A_29 : i32
      %add3A_31 = arith.addi %mul3A_11, %mul3A_30 : i32
      "tpu.region"() ({
        %run_scoped3A = tpu.sem_alloc : memref<!tpu.dma_semaphore, #tpu.memory_space<semaphore_mem>>
        %dma_start3A_37 = tpu.memref_slice %arg3[%add3A_31] : memref<320000xi32, #tpu.memory_space<hbm>> -> memref<80xi32, #tpu.memory_space<hbm>>
        %dma_start3A_38 = tpu.memref_slice %arg3[%add3A_31] : memref<320000xi32, #tpu.memory_space<hbm>> -> memref<80xi32, #tpu.memory_space<hbm>>
        tpu.enqueue_dma source(%dma_start3A_38 : memref<80xi32, #tpu.memory_space<hbm>>) target(%arg10 : memref<80xi32, #tpu.memory_space<vmem>>) target_semaphore(%run_scoped3A : memref<!tpu.dma_semaphore, #tpu.memory_space<semaphore_mem>>)
        %dma_wait3A_39 = tpu.memref_slice %arg3[%add3A_31] : memref<320000xi32, #tpu.memory_space<hbm>> -> memref<80xi32, #tpu.memory_space<hbm>>
        %dma_wait3A_40 = tpu.memref_slice %arg3[%add3A_31] : memref<320000xi32, #tpu.memory_space<hbm>> -> memref<80xi32, #tpu.memory_space<hbm>>
        tpu.wait_dma2 semaphore(%run_scoped3A : memref<!tpu.dma_semaphore, #tpu.memory_space<semaphore_mem>>) src(%dma_wait3A_40 : memref<80xi32, #tpu.memory_space<hbm>>) dst(%arg10 : memref<80xi32, #tpu.memory_space<vmem>>)
        tpu.yield
      }) : () -> ()
      %dma_start3A = arith.constant 0 : i32
      %dma_start3A_32 = arith.constant 0 : i32
      %dma_start3A_33 = tpu.memref_slice %arg2[%dma_start3A, %dma_start3A_32] : memref<10240x64xf32, #tpu.memory_space<hbm>> -> memref<10240x64xf32, #tpu.memory_space<hbm>>
      tpu.enqueue_indirect_dma source(%dma_start3A_33 : memref<10240x64xf32, #tpu.memory_space<hbm>>) target(%arg12 : memref<80x64xf32, #tpu.memory_space<vmem>>) offsets(%arg10 : memref<80xi32, #tpu.memory_space<vmem>>) semaphore(%arg15 : memref<!tpu.dma_semaphore, #tpu.memory_space<semaphore_mem>>)
      %dma_wait3A = arith.constant 0 : i32
      %dma_wait3A_34 = arith.constant 0 : i32
      %dma_wait3A_35 = tpu.memref_slice %arg2[%dma_wait3A, %dma_wait3A_34] : memref<10240x64xf32, #tpu.memory_space<hbm>> -> memref<10240x64xf32, #tpu.memory_space<hbm>>
      tpu.wait_indirect_dma semaphore(%arg15 : memref<!tpu.dma_semaphore, #tpu.memory_space<semaphore_mem>>) src(%dma_wait3A_35 : memref<10240x64xf32, #tpu.memory_space<hbm>>) dst(%arg12 : memref<80x64xf32, #tpu.memory_space<vmem>>)
      "tpu.region"() ({
        %run_scoped3A = tpu.sem_alloc : memref<!tpu.dma_semaphore, #tpu.memory_space<semaphore_mem>>
        %dma_start3A_37 = tpu.memref_slice %arg4[%add3A_31] : memref<320000xi32, #tpu.memory_space<hbm>> -> memref<80xi32, #tpu.memory_space<hbm>>
        %dma_start3A_38 = tpu.memref_slice %arg4[%add3A_31] : memref<320000xi32, #tpu.memory_space<hbm>> -> memref<80xi32, #tpu.memory_space<hbm>>
        tpu.enqueue_dma source(%dma_start3A_38 : memref<80xi32, #tpu.memory_space<hbm>>) target(%arg11 : memref<80xi32, #tpu.memory_space<vmem>>) target_semaphore(%run_scoped3A : memref<!tpu.dma_semaphore, #tpu.memory_space<semaphore_mem>>)
        %dma_wait3A_39 = tpu.memref_slice %arg4[%add3A_31] : memref<320000xi32, #tpu.memory_space<hbm>> -> memref<80xi32, #tpu.memory_space<hbm>>
        %dma_wait3A_40 = tpu.memref_slice %arg4[%add3A_31] : memref<320000xi32, #tpu.memory_space<hbm>> -> memref<80xi32, #tpu.memory_space<hbm>>
        tpu.wait_dma2 semaphore(%run_scoped3A : memref<!tpu.dma_semaphore, #tpu.memory_space<semaphore_mem>>) src(%dma_wait3A_40 : memref<80xi32, #tpu.memory_space<hbm>>) dst(%arg11 : memref<80xi32, #tpu.memory_space<vmem>>)
        tpu.yield
      }) : () -> ()
      "tpu.region"() ({
        %run_scoped3A = tpu.sem_alloc : memref<!tpu.dma_semaphore, #tpu.memory_space<semaphore_mem>>
        %dma_start3A_37 = arith.constant 0 : i32
        %dma_start3A_38 = arith.constant 0 : i32
        %dma_start3A_39 = tpu.memref_slice %arg14[%dma_start3A_37, %dma_start3A_38] : memref<10240x64xf32, #tpu.memory_space<vmem_shared>> -> memref<10240x64xf32, #tpu.memory_space<vmem_shared>>
        tpu.enqueue_indirect_dma source(%arg12 : memref<80x64xf32, #tpu.memory_space<vmem>>) target(%dma_start3A_39 : memref<10240x64xf32, #tpu.memory_space<vmem_shared>>) offsets(%arg11 : memref<80xi32, #tpu.memory_space<vmem>>) semaphore(%run_scoped3A : memref<!tpu.dma_semaphore, #tpu.memory_space<semaphore_mem>>) {add = true}
        %dma_wait3A_40 = arith.constant 0 : i32
        %dma_wait3A_41 = arith.constant 0 : i32
        %dma_wait3A_42 = tpu.memref_slice %arg14[%dma_wait3A_40, %dma_wait3A_41] : memref<10240x64xf32, #tpu.memory_space<vmem_shared>> -> memref<10240x64xf32, #tpu.memory_space<vmem_shared>>
        tpu.wait_indirect_dma semaphore(%run_scoped3A : memref<!tpu.dma_semaphore, #tpu.memory_space<semaphore_mem>>) src(%arg12 : memref<80x64xf32, #tpu.memory_space<vmem>>) dst(%dma_wait3A_42 : memref<10240x64xf32, #tpu.memory_space<vmem_shared>>)
        tpu.yield
      }) : () -> ()
      "tpu.region"() ({
        %run_scoped3A = tpu.sem_alloc : memref<!tpu.dma_semaphore, #tpu.memory_space<semaphore_mem>>
        %dma_start3A_37 = arith.constant 0 : i32
        %dma_start3A_38 = tpu.memref_slice %arg5[%add3A_31, %dma_start3A_37] : memref<320000x16xf32, #tpu.memory_space<hbm>> -> memref<80x16xf32, #tpu.memory_space<hbm>>
        %dma_start3A_39 = arith.constant 0 : i32
        %dma_start3A_40 = tpu.memref_slice %arg5[%add3A_31, %dma_start3A_39] : memref<320000x16xf32, #tpu.memory_space<hbm>> -> memref<80x16xf32, #tpu.memory_space<hbm>>
        tpu.enqueue_dma source(%dma_start3A_40 : memref<80x16xf32, #tpu.memory_space<hbm>>) target(%arg16 : memref<80x16xf32, #tpu.memory_space<vmem>>) target_semaphore(%run_scoped3A : memref<!tpu.dma_semaphore, #tpu.memory_space<semaphore_mem>>)
        %dma_wait3A_41 = arith.constant 0 : i32
        %dma_wait3A_42 = tpu.memref_slice %arg5[%add3A_31, %dma_wait3A_41] : memref<320000x16xf32, #tpu.memory_space<hbm>> -> memref<80x16xf32, #tpu.memory_space<hbm>>
        %dma_wait3A_43 = arith.constant 0 : i32
        %dma_wait3A_44 = tpu.memref_slice %arg5[%add3A_31, %dma_wait3A_43] : memref<320000x16xf32, #tpu.memory_space<hbm>> -> memref<80x16xf32, #tpu.memory_space<hbm>>
        tpu.wait_dma2 semaphore(%run_scoped3A : memref<!tpu.dma_semaphore, #tpu.memory_space<semaphore_mem>>) src(%dma_wait3A_44 : memref<80x16xf32, #tpu.memory_space<hbm>>) dst(%arg16 : memref<80x16xf32, #tpu.memory_space<vmem>>)
        tpu.yield
      }) : () -> ()
      "tpu.region"() ({
        %run_scoped3A = tpu.sem_alloc : memref<!tpu.dma_semaphore, #tpu.memory_space<semaphore_mem>>
        %dma_start3A_37 = arith.constant 0 : i32
        %dma_start3A_38 = arith.constant 0 : i32
        %dma_start3A_39 = tpu.memref_slice %arg18[%dma_start3A_37, %dma_start3A_38] : memref<10240x16xf32, #tpu.memory_space<vmem_shared>> -> memref<10240x16xf32, #tpu.memory_space<vmem_shared>>
        tpu.enqueue_indirect_dma source(%arg16 : memref<80x16xf32, #tpu.memory_space<vmem>>) target(%dma_start3A_39 : memref<10240x16xf32, #tpu.memory_space<vmem_shared>>) offsets(%arg11 : memref<80xi32, #tpu.memory_space<vmem>>) semaphore(%run_scoped3A : memref<!tpu.dma_semaphore, #tpu.memory_space<semaphore_mem>>) {add = true}
        %dma_wait3A_40 = arith.constant 0 : i32
        %dma_wait3A_41 = arith.constant 0 : i32
        %dma_wait3A_42 = tpu.memref_slice %arg18[%dma_wait3A_40, %dma_wait3A_41] : memref<10240x16xf32, #tpu.memory_space<vmem_shared>> -> memref<10240x16xf32, #tpu.memory_space<vmem_shared>>
        tpu.wait_indirect_dma semaphore(%run_scoped3A : memref<!tpu.dma_semaphore, #tpu.memory_space<semaphore_mem>>) src(%arg16 : memref<80x16xf32, #tpu.memory_space<vmem>>) dst(%dma_wait3A_42 : memref<10240x16xf32, #tpu.memory_space<vmem_shared>>)
        tpu.yield
      }) : () -> ()
      %scan3A_36 = arith.constant 0 : i32
      scf.yield %scan3A_36 : i32
    }
    %scan3A_18 = arith.constant 125 : i32
    %barrier3A_19 = arith.constant 0 : index
    tpu.barrier barrier_id(%barrier3A_19)
    %eq3A = arith.constant 0 : i32
    %eq3A_20 = arith.cmpi eq, %arg0, %eq3A : i32
    %convert_element_type3A = arith.extui %eq3A_20 : i1 to i32
    %cond3A = arith.constant 0 : i32
    %cond3A_21 = arith.cmpi ne, %convert_element_type3A, %cond3A : i32
    scf.if %cond3A_21 {
      "tpu.region"() ({
        %run_scoped3A = tpu.sem_alloc : memref<!tpu.dma_semaphore, #tpu.memory_space<semaphore_mem>>
        %dma_start3A = arith.constant 0 : i32
        %dma_start3A_27 = tpu.memref_slice %arg6[%mul3A_9, %dma_start3A] : memref<10240x64xf32, #tpu.memory_space<hbm>> -> memref<640x64xf32, #tpu.memory_space<hbm>>
        %dma_start3A_28 = arith.constant 0 : i32
        %dma_start3A_29 = tpu.memref_slice %arg14[%mul3A_9, %dma_start3A_28] : memref<10240x64xf32, #tpu.memory_space<vmem_shared>> -> memref<640x64xf32, #tpu.memory_space<vmem_shared>>
        tpu.enqueue_dma source(%dma_start3A_29 : memref<640x64xf32, #tpu.memory_space<vmem_shared>>) target(%dma_start3A_27 : memref<640x64xf32, #tpu.memory_space<hbm>>) target_semaphore(%run_scoped3A : memref<!tpu.dma_semaphore, #tpu.memory_space<semaphore_mem>>)
        %dma_wait3A = arith.constant 0 : i32
        %dma_wait3A_30 = tpu.memref_slice %arg6[%mul3A_9, %dma_wait3A] : memref<10240x64xf32, #tpu.memory_space<hbm>> -> memref<640x64xf32, #tpu.memory_space<hbm>>
        %dma_wait3A_31 = arith.constant 0 : i32
        %dma_wait3A_32 = tpu.memref_slice %arg14[%mul3A_9, %dma_wait3A_31] : memref<10240x64xf32, #tpu.memory_space<vmem_shared>> -> memref<640x64xf32, #tpu.memory_space<vmem_shared>>
        tpu.wait_dma2 semaphore(%run_scoped3A : memref<!tpu.dma_semaphore, #tpu.memory_space<semaphore_mem>>) src(%dma_wait3A_32 : memref<640x64xf32, #tpu.memory_space<vmem_shared>>) dst(%dma_wait3A_30 : memref<640x64xf32, #tpu.memory_space<hbm>>)
        tpu.yield
      }) : () -> ()
      "tpu.region"() ({
        %run_scoped3A = tpu.sem_alloc : memref<!tpu.dma_semaphore, #tpu.memory_space<semaphore_mem>>
        %dma_start3A = arith.constant 0 : i32
        %dma_start3A_27 = tpu.memref_slice %arg8[%mul3A_9, %dma_start3A] : memref<10240x16xf32, #tpu.memory_space<hbm>> -> memref<640x16xf32, #tpu.memory_space<hbm>>
        %dma_start3A_28 = arith.constant 0 : i32
        %dma_start3A_29 = tpu.memref_slice %arg18[%mul3A_9, %dma_start3A_28] : memref<10240x16xf32, #tpu.memory_space<vmem_shared>> -> memref<640x16xf32, #tpu.memory_space<vmem_shared>>
        tpu.enqueue_dma source(%dma_start3A_29 : memref<640x16xf32, #tpu.memory_space<vmem_shared>>) target(%dma_start3A_27 : memref<640x16xf32, #tpu.memory_space<hbm>>) target_semaphore(%run_scoped3A : memref<!tpu.dma_semaphore, #tpu.memory_space<semaphore_mem>>)
        %dma_wait3A = arith.constant 0 : i32
        %dma_wait3A_30 = tpu.memref_slice %arg8[%mul3A_9, %dma_wait3A] : memref<10240x16xf32, #tpu.memory_space<hbm>> -> memref<640x16xf32, #tpu.memory_space<hbm>>
        %dma_wait3A_31 = arith.constant 0 : i32
        %dma_wait3A_32 = tpu.memref_slice %arg18[%mul3A_9, %dma_wait3A_31] : memref<10240x16xf32, #tpu.memory_space<vmem_shared>> -> memref<640x16xf32, #tpu.memory_space<vmem_shared>>
        tpu.wait_dma2 semaphore(%run_scoped3A : memref<!tpu.dma_semaphore, #tpu.memory_space<semaphore_mem>>) src(%dma_wait3A_32 : memref<640x16xf32, #tpu.memory_space<vmem_shared>>) dst(%dma_wait3A_30 : memref<640x16xf32, #tpu.memory_space<hbm>>)
        tpu.yield
      }) : () -> ()
    } else {
    }
    %eq3A_22 = arith.constant 1 : i32
    %eq3A_23 = arith.cmpi eq, %arg0, %eq3A_22 : i32
    %convert_element_type3A_24 = arith.extui %eq3A_23 : i1 to i32
    %cond3A_25 = arith.constant 0 : i32
    %cond3A_26 = arith.cmpi ne, %convert_element_type3A_24, %cond3A_25 : i32
    scf.if %cond3A_26 {
      "tpu.region"() ({
        %run_scoped3A = tpu.sem_alloc : memref<!tpu.dma_semaphore, #tpu.memory_space<semaphore_mem>>
        %dma_start3A = arith.constant 0 : i32
        %dma_start3A_27 = tpu.memref_slice %arg7[%mul3A_9, %dma_start3A] : memref<10240x64xf32, #tpu.memory_space<hbm>> -> memref<640x64xf32, #tpu.memory_space<hbm>>
        %dma_start3A_28 = arith.constant 0 : i32
        %dma_start3A_29 = tpu.memref_slice %arg14[%mul3A_9, %dma_start3A_28] : memref<10240x64xf32, #tpu.memory_space<vmem_shared>> -> memref<640x64xf32, #tpu.memory_space<vmem_shared>>
        tpu.enqueue_dma source(%dma_start3A_29 : memref<640x64xf32, #tpu.memory_space<vmem_shared>>) target(%dma_start3A_27 : memref<640x64xf32, #tpu.memory_space<hbm>>) target_semaphore(%run_scoped3A : memref<!tpu.dma_semaphore, #tpu.memory_space<semaphore_mem>>)
        %dma_wait3A = arith.constant 0 : i32
        %dma_wait3A_30 = tpu.memref_slice %arg7[%mul3A_9, %dma_wait3A] : memref<10240x64xf32, #tpu.memory_space<hbm>> -> memref<640x64xf32, #tpu.memory_space<hbm>>
        %dma_wait3A_31 = arith.constant 0 : i32
        %dma_wait3A_32 = tpu.memref_slice %arg14[%mul3A_9, %dma_wait3A_31] : memref<10240x64xf32, #tpu.memory_space<vmem_shared>> -> memref<640x64xf32, #tpu.memory_space<vmem_shared>>
        tpu.wait_dma2 semaphore(%run_scoped3A : memref<!tpu.dma_semaphore, #tpu.memory_space<semaphore_mem>>) src(%dma_wait3A_32 : memref<640x64xf32, #tpu.memory_space<vmem_shared>>) dst(%dma_wait3A_30 : memref<640x64xf32, #tpu.memory_space<hbm>>)
        tpu.yield
      }) : () -> ()
      "tpu.region"() ({
        %run_scoped3A = tpu.sem_alloc : memref<!tpu.dma_semaphore, #tpu.memory_space<semaphore_mem>>
        %dma_start3A = arith.constant 0 : i32
        %dma_start3A_27 = tpu.memref_slice %arg9[%mul3A_9, %dma_start3A] : memref<10240x16xf32, #tpu.memory_space<hbm>> -> memref<640x16xf32, #tpu.memory_space<hbm>>
        %dma_start3A_28 = arith.constant 0 : i32
        %dma_start3A_29 = tpu.memref_slice %arg18[%mul3A_9, %dma_start3A_28] : memref<10240x16xf32, #tpu.memory_space<vmem_shared>> -> memref<640x16xf32, #tpu.memory_space<vmem_shared>>
        tpu.enqueue_dma source(%dma_start3A_29 : memref<640x16xf32, #tpu.memory_space<vmem_shared>>) target(%dma_start3A_27 : memref<640x16xf32, #tpu.memory_space<hbm>>) target_semaphore(%run_scoped3A : memref<!tpu.dma_semaphore, #tpu.memory_space<semaphore_mem>>)
        %dma_wait3A = arith.constant 0 : i32
        %dma_wait3A_30 = tpu.memref_slice %arg9[%mul3A_9, %dma_wait3A] : memref<10240x16xf32, #tpu.memory_space<hbm>> -> memref<640x16xf32, #tpu.memory_space<hbm>>
        %dma_wait3A_31 = arith.constant 0 : i32
        %dma_wait3A_32 = tpu.memref_slice %arg18[%mul3A_9, %dma_wait3A_31] : memref<10240x16xf32, #tpu.memory_space<vmem_shared>> -> memref<640x16xf32, #tpu.memory_space<vmem_shared>>
        tpu.wait_dma2 semaphore(%run_scoped3A : memref<!tpu.dma_semaphore, #tpu.memory_space<semaphore_mem>>) src(%dma_wait3A_32 : memref<640x16xf32, #tpu.memory_space<vmem_shared>>) dst(%dma_wait3A_30 : memref<640x16xf32, #tpu.memory_space<hbm>>)
        tpu.yield
      }) : () -> ()
    } else {
    }
    return
  }
}

module attributes {stable_mosaic.version = 14 : i64} {
  func.func @_tc_a_body(%arg0: memref<10000x128xf32, #tpu.memory_space<vmem>>, %arg1: memref<128x64xf32, #tpu.memory_space<vmem>>, %arg2: memref<1x64xf32, #tpu.memory_space<vmem>>, %arg3: memref<64x64xf32, #tpu.memory_space<vmem>>, %arg4: memref<1x64xf32, #tpu.memory_space<vmem>>, %arg5: memref<10240x64xf32, #tpu.memory_space<vmem>>) attributes {dimension_semantics = [], scalar_prefetch = 0 : i64, scratch_operands = 0 : i64, tpu.core_type = #tpu.core_type<tc>} {
    %get3A = arith.constant 0 : index
    %get3A_0 = arith.constant 0 : index
    %get3A_1 = vector.load %arg0[%get3A, %get3A_0] : memref<10000x128xf32, #tpu.memory_space<vmem>>, vector<10000x128xf32>
    %get3A_2 = arith.constant 0 : index
    %get3A_3 = arith.constant 0 : index
    %get3A_4 = vector.load %arg1[%get3A_2, %get3A_3] : memref<128x64xf32, #tpu.memory_space<vmem>>, vector<128x64xf32>
    %dot_general3A = arith.constant dense<0.000000e+00> : vector<10000x64xf32>
    %dot_general3A_5 = tpu.matmul %get3A_1, %get3A_4, %dot_general3A {dimension_numbers = #tpu.dot_dimension_numbers<[1], [0], [0], [1], [0, 0, 1, 1], [], []>, transpose_lhs_hint = false} : vector<10000x128xf32>, vector<128x64xf32>, vector<10000x64xf32> -> vector<10000x64xf32>
    %get3A_6 = arith.constant 0 : index
    %get3A_7 = arith.constant 0 : index
    %get3A_8 = vector.load %arg2[%get3A_6, %get3A_7] : memref<1x64xf32, #tpu.memory_space<vmem>>, vector<1x64xf32>
    %add3A = vector.broadcast %get3A_8 : vector<1x64xf32> to vector<10000x64xf32>
    %add3A_9 = arith.addf %dot_general3A_5, %add3A : vector<10000x64xf32>
    %get3A_10 = arith.constant 0 : index
    %get3A_11 = arith.constant 0 : index
    %get3A_12 = vector.load %arg3[%get3A_10, %get3A_11] : memref<64x64xf32, #tpu.memory_space<vmem>>, vector<64x64xf32>
    %dot_general3A_13 = arith.constant dense<0.000000e+00> : vector<10000x64xf32>
    %dot_general3A_14 = tpu.matmul %add3A_9, %get3A_12, %dot_general3A_13 {dimension_numbers = #tpu.dot_dimension_numbers<[1], [0], [0], [1], [0, 0, 1, 1], [], []>, transpose_lhs_hint = false} : vector<10000x64xf32>, vector<64x64xf32>, vector<10000x64xf32> -> vector<10000x64xf32>
    %get3A_15 = arith.constant 0 : index
    %get3A_16 = arith.constant 0 : index
    %get3A_17 = vector.load %arg4[%get3A_15, %get3A_16] : memref<1x64xf32, #tpu.memory_space<vmem>>, vector<1x64xf32>
    %add3A_18 = vector.broadcast %get3A_17 : vector<1x64xf32> to vector<10000x64xf32>
    %add3A_19 = arith.addf %dot_general3A_14, %add3A_18 : vector<10000x64xf32>
    %broadcast_in_dim3A = arith.constant 0.000000e+00 : f32
    %broadcast_in_dim3A_20 = vector.broadcast %broadcast_in_dim3A : f32 to vector<240x64xf32>
    %concatenate3A = tpu.concatenate %add3A_19, %broadcast_in_dim3A_20 in 0 : vector<10000x64xf32>, vector<240x64xf32> -> vector<10240x64xf32>
    %swap3A = arith.constant 0 : index
    %swap3A_21 = arith.constant 0 : index
    %swap3A_22 = vector.load %arg5[%swap3A, %swap3A_21] : memref<10240x64xf32, #tpu.memory_space<vmem>>, vector<10240x64xf32>
    tpu.vector_store %arg5[%swap3A, %swap3A_21], %concatenate3A {strides = array<i32>} : memref<10240x64xf32, #tpu.memory_space<vmem>>, vector<10240x64xf32>,
    return
  }
}

module attributes {stable_mosaic.version = 14 : i64} {
  func.func @_tc_b_body(%arg0: memref<10240x64xf32, #tpu.memory_space<vmem>>, %arg1: memref<10240x64xf32, #tpu.memory_space<vmem>>, %arg2: memref<10240x16xf32, #tpu.memory_space<vmem>>, %arg3: memref<10240x16xf32, #tpu.memory_space<vmem>>, %arg4: memref<1x16xf32, #tpu.memory_space<vmem>>, %arg5: memref<16x64xf32, #tpu.memory_space<vmem>>, %arg6: memref<64x64xf32, #tpu.memory_space<vmem>>, %arg7: memref<16x64xf32, #tpu.memory_space<vmem>>, %arg8: memref<1x64xf32, #tpu.memory_space<vmem>>, %arg9: memref<1x64xf32, #tpu.memory_space<vmem>>, %arg10: memref<1x64xf32, #tpu.memory_space<vmem>>, %arg11: memref<64x64xf32, #tpu.memory_space<vmem>>, %arg12: memref<1x64xf32, #tpu.memory_space<vmem>>, %arg13: memref<64x64xf32, #tpu.memory_space<vmem>>, %arg14: memref<1x64xf32, #tpu.memory_space<vmem>>, %arg15: memref<10240x64xf32, #tpu.memory_space<vmem>>) attributes {dimension_semantics = [], scalar_prefetch = 0 : i64, scratch_operands = 0 : i64, tpu.core_type = #tpu.core_type<tc>} {
    %get3A = arith.constant 0 : index
    %get3A_0 = arith.constant 0 : index
    %get3A_1 = vector.load %arg0[%get3A, %get3A_0] : memref<10240x64xf32, #tpu.memory_space<vmem>>, vector<10240x64xf32>
    %get3A_2 = arith.constant 0 : index
    %get3A_3 = arith.constant 0 : index
    %get3A_4 = vector.load %arg1[%get3A_2, %get3A_3] : memref<10240x64xf32, #tpu.memory_space<vmem>>, vector<10240x64xf32>
    %add3A = arith.addf %get3A_1, %get3A_4 : vector<10240x64xf32>
    %get3A_5 = arith.constant 0 : index
    %get3A_6 = arith.constant 0 : index
    %get3A_7 = vector.load %arg2[%get3A_5, %get3A_6] : memref<10240x16xf32, #tpu.memory_space<vmem>>, vector<10240x16xf32>
    %get3A_8 = arith.constant 0 : index
    %get3A_9 = arith.constant 0 : index
    %get3A_10 = vector.load %arg3[%get3A_8, %get3A_9] : memref<10240x16xf32, #tpu.memory_space<vmem>>, vector<10240x16xf32>
    %add3A_11 = arith.addf %get3A_7, %get3A_10 : vector<10240x16xf32>
    %get3A_12 = arith.constant 0 : index
    %get3A_13 = arith.constant 0 : index
    %get3A_14 = vector.load %arg5[%get3A_12, %get3A_13] : memref<16x64xf32, #tpu.memory_space<vmem>>, vector<16x64xf32>
    %dot_general3A = arith.constant dense<0.000000e+00> : vector<10240x64xf32>
    %dot_general3A_15 = tpu.matmul %add3A_11, %get3A_14, %dot_general3A {dimension_numbers = #tpu.dot_dimension_numbers<[1], [0], [0], [1], [0, 0, 1, 1], [], []>, transpose_lhs_hint = false} : vector<10240x16xf32>, vector<16x64xf32>, vector<10240x64xf32> -> vector<10240x64xf32>
    %add3A_16 = arith.addf %add3A, %dot_general3A_15 : vector<10240x64xf32>
    %get3A_17 = arith.constant 0 : index
    %get3A_18 = arith.constant 0 : index
    %get3A_19 = vector.load %arg6[%get3A_17, %get3A_18] : memref<64x64xf32, #tpu.memory_space<vmem>>, vector<64x64xf32>
    %dot_general3A_20 = arith.constant dense<0.000000e+00> : vector<10240x64xf32>
    %dot_general3A_21 = tpu.matmul %add3A_16, %get3A_19, %dot_general3A_20 {dimension_numbers = #tpu.dot_dimension_numbers<[1], [0], [0], [1], [0, 0, 1, 1], [], []>, transpose_lhs_hint = false} : vector<10240x64xf32>, vector<64x64xf32>, vector<10240x64xf32> -> vector<10240x64xf32>
    %get3A_22 = arith.constant 0 : index
    %get3A_23 = arith.constant 0 : index
    %get3A_24 = vector.load %arg4[%get3A_22, %get3A_23] : memref<1x16xf32, #tpu.memory_space<vmem>>, vector<1x16xf32>
    %get3A_25 = arith.constant 0 : index
    %get3A_26 = arith.constant 0 : index
    %get3A_27 = vector.load %arg7[%get3A_25, %get3A_26] : memref<16x64xf32, #tpu.memory_space<vmem>>, vector<16x64xf32>
    %dot_general3A_28 = arith.constant dense<0.000000e+00> : vector<1x64xf32>
    %dot_general3A_29 = tpu.matmul %get3A_24, %get3A_27, %dot_general3A_28 {dimension_numbers = #tpu.dot_dimension_numbers<[1], [0], [0], [1], [0, 0, 1, 1], [], []>, transpose_lhs_hint = false} : vector<1x16xf32>, vector<16x64xf32>, vector<1x64xf32> -> vector<1x64xf32>
    %add3A_30 = vector.broadcast %dot_general3A_29 : vector<1x64xf32> to vector<10240x64xf32>
    %add3A_31 = arith.addf %dot_general3A_21, %add3A_30 : vector<10240x64xf32>
    %get3A_32 = arith.constant 0 : index
    %get3A_33 = arith.constant 0 : index
    %get3A_34 = vector.load %arg8[%get3A_32, %get3A_33] : memref<1x64xf32, #tpu.memory_space<vmem>>, vector<1x64xf32>
    %add3A_35 = vector.broadcast %get3A_34 : vector<1x64xf32> to vector<10240x64xf32>
    %add3A_36 = arith.addf %add3A_31, %add3A_35 : vector<10240x64xf32>
    %get3A_37 = arith.constant 0 : index
    %get3A_38 = arith.constant 0 : index
    %get3A_39 = vector.load %arg9[%get3A_37, %get3A_38] : memref<1x64xf32, #tpu.memory_space<vmem>>, vector<1x64xf32>
    %get3A_40 = arith.constant 0 : index
    %get3A_41 = arith.constant 0 : index
    %get3A_42 = vector.load %arg10[%get3A_40, %get3A_41] : memref<1x64xf32, #tpu.memory_space<vmem>>, vector<1x64xf32>
    %reduce_sum3A = arith.constant dense<0.000000e+00> : vector<10240xf32>
    %reduce_sum3A_43 = vector.multi_reduction <add>, %add3A_36, %reduce_sum3A [1] : vector<10240x64xf32> to vector<10240xf32>
    %broadcast_in_dim3A = vector.shape_cast %reduce_sum3A_43 : vector<10240xf32> to vector<10240x1xf32>
    %div3A = arith.constant 6.400000e+01 : f32
    %div3A_44 = vector.broadcast %div3A : f32 to vector<10240x1xf32>
    %div3A_45 = arith.divf %broadcast_in_dim3A, %div3A_44 : vector<10240x1xf32>
    %sub3A = vector.broadcast %div3A_45 : vector<10240x1xf32> to vector<10240x64xf32>
    %sub3A_46 = arith.subf %add3A_36, %sub3A : vector<10240x64xf32>
    %integer_pow3A = arith.mulf %sub3A_46, %sub3A_46 : vector<10240x64xf32>
    %reduce_sum3A_47 = arith.constant dense<0.000000e+00> : vector<10240xf32>
    %reduce_sum3A_48 = vector.multi_reduction <add>, %integer_pow3A, %reduce_sum3A_47 [1] : vector<10240x64xf32> to vector<10240xf32>
    %broadcast_in_dim3A_49 = vector.shape_cast %reduce_sum3A_48 : vector<10240xf32> to vector<10240x1xf32>
    %div3A_50 = arith.constant 6.400000e+01 : f32
    %div3A_51 = vector.broadcast %div3A_50 : f32 to vector<10240x1xf32>
    %div3A_52 = arith.divf %broadcast_in_dim3A_49, %div3A_51 : vector<10240x1xf32>
    %sub3A_53 = vector.broadcast %div3A_45 : vector<10240x1xf32> to vector<10240x64xf32>
    %sub3A_54 = arith.subf %add3A_36, %sub3A_53 : vector<10240x64xf32>
    %add3A_55 = arith.constant 9.99999974E-6 : f32
    %add3A_56 = vector.broadcast %add3A_55 : f32 to vector<10240x1xf32>
    %add3A_57 = arith.addf %div3A_52, %add3A_56 : vector<10240x1xf32>
    %sqrt3A = math.sqrt %add3A_57 : vector<10240x1xf32>
    %div3A_58 = vector.broadcast %sqrt3A : vector<10240x1xf32> to vector<10240x64xf32>
    %div3A_59 = arith.divf %sub3A_54, %div3A_58 : vector<10240x64xf32>
    %mul3A = vector.broadcast %get3A_39 : vector<1x64xf32> to vector<10240x64xf32>
    %mul3A_60 = arith.mulf %div3A_59, %mul3A : vector<10240x64xf32>
    %add3A_61 = vector.broadcast %get3A_42 : vector<1x64xf32> to vector<10240x64xf32>
    %add3A_62 = arith.addf %mul3A_60, %add3A_61 : vector<10240x64xf32>
    %get3A_63 = arith.constant 0 : index
    %get3A_64 = arith.constant 0 : index
    %get3A_65 = vector.load %arg11[%get3A_63, %get3A_64] : memref<64x64xf32, #tpu.memory_space<vmem>>, vector<64x64xf32>
    %dot_general3A_66 = arith.constant dense<0.000000e+00> : vector<10240x64xf32>
    %dot_general3A_67 = tpu.matmul %add3A_62, %get3A_65, %dot_general3A_66 {dimension_numbers = #tpu.dot_dimension_numbers<[1], [0], [0], [1], [0, 0, 1, 1], [], []>, transpose_lhs_hint = false} : vector<10240x64xf32>, vector<64x64xf32>, vector<10240x64xf32> -> vector<10240x64xf32>
    %get3A_68 = arith.constant 0 : index
    %get3A_69 = arith.constant 0 : index
    %get3A_70 = vector.load %arg12[%get3A_68, %get3A_69] : memref<1x64xf32, #tpu.memory_space<vmem>>, vector<1x64xf32>
    %add3A_71 = vector.broadcast %get3A_70 : vector<1x64xf32> to vector<10240x64xf32>
    %add3A_72 = arith.addf %dot_general3A_67, %add3A_71 : vector<10240x64xf32>
    %get3A_73 = arith.constant 0 : index
    %get3A_74 = arith.constant 0 : index
    %get3A_75 = vector.load %arg13[%get3A_73, %get3A_74] : memref<64x64xf32, #tpu.memory_space<vmem>>, vector<64x64xf32>
    %dot_general3A_76 = arith.constant dense<0.000000e+00> : vector<10240x64xf32>
    %dot_general3A_77 = tpu.matmul %add3A_72, %get3A_75, %dot_general3A_76 {dimension_numbers = #tpu.dot_dimension_numbers<[1], [0], [0], [1], [0, 0, 1, 1], [], []>, transpose_lhs_hint = false} : vector<10240x64xf32>, vector<64x64xf32>, vector<10240x64xf32> -> vector<10240x64xf32>
    %get3A_78 = arith.constant 0 : index
    %get3A_79 = arith.constant 0 : index
    %get3A_80 = vector.load %arg14[%get3A_78, %get3A_79] : memref<1x64xf32, #tpu.memory_space<vmem>>, vector<1x64xf32>
    %add3A_81 = vector.broadcast %get3A_80 : vector<1x64xf32> to vector<10240x64xf32>
    %add3A_82 = arith.addf %dot_general3A_77, %add3A_81 : vector<10240x64xf32>
    %swap3A = arith.constant 0 : index
    %swap3A_83 = arith.constant 0 : index
    %swap3A_84 = vector.load %arg15[%swap3A, %swap3A_83] : memref<10240x64xf32, #tpu.memory_space<vmem>>, vector<10240x64xf32>
    tpu.vector_store %arg15[%swap3A, %swap3A_83], %add3A_82 {strides = array<i32>} : memref<10240x64xf32, #tpu.memory_space<vmem>>, vector<10240x64xf32>,
    return
  }
}

module attributes {stable_mosaic.version = 14 : i64} {
  func.func @_tc_b3_body(%arg0: memref<10240x64xf32, #tpu.memory_space<vmem>>, %arg1: memref<10240x64xf32, #tpu.memory_space<vmem>>, %arg2: memref<10240x16xf32, #tpu.memory_space<vmem>>, %arg3: memref<10240x16xf32, #tpu.memory_space<vmem>>, %arg4: memref<1x16xf32, #tpu.memory_space<vmem>>, %arg5: memref<16x64xf32, #tpu.memory_space<vmem>>, %arg6: memref<64x64xf32, #tpu.memory_space<vmem>>, %arg7: memref<16x64xf32, #tpu.memory_space<vmem>>, %arg8: memref<1x64xf32, #tpu.memory_space<vmem>>, %arg9: memref<1x64xf32, #tpu.memory_space<vmem>>, %arg10: memref<1x64xf32, #tpu.memory_space<vmem>>, %arg11: memref<80x64xf32, #tpu.memory_space<vmem>>, %arg12: memref<1x64xf32, #tpu.memory_space<vmem>>, %arg13: memref<1x64xf32, #tpu.memory_space<vmem>>, %arg14: memref<1x64xf32, #tpu.memory_space<vmem>>, %arg15: memref<64x32xf32, #tpu.memory_space<vmem>>, %arg16: memref<1x32xf32, #tpu.memory_space<vmem>>, %arg17: memref<1x32xf32, #tpu.memory_space<vmem>>, %arg18: memref<1x32xf32, #tpu.memory_space<vmem>>, %arg19: memref<32x1xf32, #tpu.memory_space<vmem>>, %arg20: memref<1x1xf32, #tpu.memory_space<vmem>>, %arg21: memref<1x1xf32, #tpu.memory_space<vmem>>) attributes {dimension_semantics = [], scalar_prefetch = 0 : i64, scratch_operands = 0 : i64, tpu.core_type = #tpu.core_type<tc>} {
    %get3A = arith.constant 0 : index
    %get3A_0 = arith.constant 0 : index
    %get3A_1 = vector.load %arg0[%get3A, %get3A_0] : memref<10240x64xf32, #tpu.memory_space<vmem>>, vector<10240x64xf32>
    %get3A_2 = arith.constant 0 : index
    %get3A_3 = arith.constant 0 : index
    %get3A_4 = vector.load %arg1[%get3A_2, %get3A_3] : memref<10240x64xf32, #tpu.memory_space<vmem>>, vector<10240x64xf32>
    %add3A = arith.addf %get3A_1, %get3A_4 : vector<10240x64xf32>
    %get3A_5 = arith.constant 0 : index
    %get3A_6 = arith.constant 0 : index
    %get3A_7 = vector.load %arg2[%get3A_5, %get3A_6] : memref<10240x16xf32, #tpu.memory_space<vmem>>, vector<10240x16xf32>
    %get3A_8 = arith.constant 0 : index
    %get3A_9 = arith.constant 0 : index
    %get3A_10 = vector.load %arg3[%get3A_8, %get3A_9] : memref<10240x16xf32, #tpu.memory_space<vmem>>, vector<10240x16xf32>
    %add3A_11 = arith.addf %get3A_7, %get3A_10 : vector<10240x16xf32>
    %get3A_12 = arith.constant 0 : index
    %get3A_13 = arith.constant 0 : index
    %get3A_14 = vector.load %arg5[%get3A_12, %get3A_13] : memref<16x64xf32, #tpu.memory_space<vmem>>, vector<16x64xf32>
    %dot_general3A = arith.constant dense<0.000000e+00> : vector<10240x64xf32>
    %dot_general3A_15 = tpu.matmul %add3A_11, %get3A_14, %dot_general3A {dimension_numbers = #tpu.dot_dimension_numbers<[1], [0], [0], [1], [0, 0, 1, 1], [], []>, transpose_lhs_hint = false} : vector<10240x16xf32>, vector<16x64xf32>, vector<10240x64xf32> -> vector<10240x64xf32>
    %add3A_16 = arith.addf %add3A, %dot_general3A_15 : vector<10240x64xf32>
    %get3A_17 = arith.constant 0 : index
    %get3A_18 = arith.constant 0 : index
    %get3A_19 = vector.load %arg6[%get3A_17, %get3A_18] : memref<64x64xf32, #tpu.memory_space<vmem>>, vector<64x64xf32>
    %dot_general3A_20 = arith.constant dense<0.000000e+00> : vector<10240x64xf32>
    %dot_general3A_21 = tpu.matmul %add3A_16, %get3A_19, %dot_general3A_20 {dimension_numbers = #tpu.dot_dimension_numbers<[1], [0], [0], [1], [0, 0, 1, 1], [], []>, transpose_lhs_hint = false} : vector<10240x64xf32>, vector<64x64xf32>, vector<10240x64xf32> -> vector<10240x64xf32>
    %get3A_22 = arith.constant 0 : index
    %get3A_23 = arith.constant 0 : index
    %get3A_24 = vector.load %arg4[%get3A_22, %get3A_23] : memref<1x16xf32, #tpu.memory_space<vmem>>, vector<1x16xf32>
    %get3A_25 = arith.constant 0 : index
    %get3A_26 = arith.constant 0 : index
    %get3A_27 = vector.load %arg7[%get3A_25, %get3A_26] : memref<16x64xf32, #tpu.memory_space<vmem>>, vector<16x64xf32>
    %dot_general3A_28 = arith.constant dense<0.000000e+00> : vector<1x64xf32>
    %dot_general3A_29 = tpu.matmul %get3A_24, %get3A_27, %dot_general3A_28 {dimension_numbers = #tpu.dot_dimension_numbers<[1], [0], [0], [1], [0, 0, 1, 1], [], []>, transpose_lhs_hint = false} : vector<1x16xf32>, vector<16x64xf32>, vector<1x64xf32> -> vector<1x64xf32>
    %add3A_30 = vector.broadcast %dot_general3A_29 : vector<1x64xf32> to vector<10240x64xf32>
    %add3A_31 = arith.addf %dot_general3A_21, %add3A_30 : vector<10240x64xf32>
    %get3A_32 = arith.constant 0 : index
    %get3A_33 = arith.constant 0 : index
    %get3A_34 = vector.load %arg8[%get3A_32, %get3A_33] : memref<1x64xf32, #tpu.memory_space<vmem>>, vector<1x64xf32>
    %add3A_35 = vector.broadcast %get3A_34 : vector<1x64xf32> to vector<10240x64xf32>
    %add3A_36 = arith.addf %add3A_31, %add3A_35 : vector<10240x64xf32>
    %get3A_37 = arith.constant 0 : index
    %get3A_38 = arith.constant 0 : index
    %get3A_39 = vector.load %arg9[%get3A_37, %get3A_38] : memref<1x64xf32, #tpu.memory_space<vmem>>, vector<1x64xf32>
    %get3A_40 = arith.constant 0 : index
    %get3A_41 = arith.constant 0 : index
    %get3A_42 = vector.load %arg10[%get3A_40, %get3A_41] : memref<1x64xf32, #tpu.memory_space<vmem>>, vector<1x64xf32>
    %reduce_sum3A = arith.constant dense<0.000000e+00> : vector<10240xf32>
    %reduce_sum3A_43 = vector.multi_reduction <add>, %add3A_36, %reduce_sum3A [1] : vector<10240x64xf32> to vector<10240xf32>
    %broadcast_in_dim3A = vector.shape_cast %reduce_sum3A_43 : vector<10240xf32> to vector<10240x1xf32>
    %div3A = arith.constant 6.400000e+01 : f32
    %div3A_44 = vector.broadcast %div3A : f32 to vector<10240x1xf32>
    %div3A_45 = arith.divf %broadcast_in_dim3A, %div3A_44 : vector<10240x1xf32>
    %sub3A = vector.broadcast %div3A_45 : vector<10240x1xf32> to vector<10240x64xf32>
    %sub3A_46 = arith.subf %add3A_36, %sub3A : vector<10240x64xf32>
    %integer_pow3A = arith.mulf %sub3A_46, %sub3A_46 : vector<10240x64xf32>
    %reduce_sum3A_47 = arith.constant dense<0.000000e+00> : vector<10240xf32>
    %reduce_sum3A_48 = vector.multi_reduction <add>, %integer_pow3A, %reduce_sum3A_47 [1] : vector<10240x64xf32> to vector<10240xf32>
    %broadcast_in_dim3A_49 = vector.shape_cast %reduce_sum3A_48 : vector<10240xf32> to vector<10240x1xf32>
    %div3A_50 = arith.constant 6.400000e+01 : f32
    %div3A_51 = vector.broadcast %div3A_50 : f32 to vector<10240x1xf32>
    %div3A_52 = arith.divf %broadcast_in_dim3A_49, %div3A_51 : vector<10240x1xf32>
    %sub3A_53 = vector.broadcast %div3A_45 : vector<10240x1xf32> to vector<10240x64xf32>
    %sub3A_54 = arith.subf %add3A_36, %sub3A_53 : vector<10240x64xf32>
    %add3A_55 = arith.constant 9.99999974E-6 : f32
    %add3A_56 = vector.broadcast %add3A_55 : f32 to vector<10240x1xf32>
    %add3A_57 = arith.addf %div3A_52, %add3A_56 : vector<10240x1xf32>
    %sqrt3A = math.sqrt %add3A_57 : vector<10240x1xf32>
    %div3A_58 = vector.broadcast %sqrt3A : vector<10240x1xf32> to vector<10240x64xf32>
    %div3A_59 = arith.divf %sub3A_54, %div3A_58 : vector<10240x64xf32>
    %mul3A = vector.broadcast %get3A_39 : vector<1x64xf32> to vector<10240x64xf32>
    %mul3A_60 = arith.mulf %div3A_59, %mul3A : vector<10240x64xf32>
    %add3A_61 = vector.broadcast %get3A_42 : vector<1x64xf32> to vector<10240x64xf32>
    %add3A_62 = arith.addf %mul3A_60, %add3A_61 : vector<10240x64xf32>
    %iota3A = tpu.iota {dimensions = array<i32: 0>} : vector<10240x1xi32>
    %lt3A = arith.constant 10000 : i32
    %lt3A_63 = vector.broadcast %lt3A : i32 to vector<10240x1xi32>
    %lt3A_64 = arith.cmpi slt, %iota3A, %lt3A_63 : vector<10240x1xi32>
    %jit3A = arith.constant 0.000000e+00 : f32
    %broadcast_in_dim3A_65 = vector.shape_cast %lt3A_64 : vector<10240x1xi1> to vector<10240x1xi1>
    %broadcast_in_dim3A_66 = vector.broadcast %broadcast_in_dim3A_65 : vector<10240x1xi1> to vector<10240x64xi1>
    %broadcast_in_dim3A_67 = vector.broadcast %jit3A : f32 to vector<10240x64xf32>
    %select_n3A = arith.select %broadcast_in_dim3A_66, %add3A_62, %broadcast_in_dim3A_67 : vector<10240x64xi1>, vector<10240x64xf32>
    %reduce_sum3A_68 = arith.constant dense<0.000000e+00> : vector<64xf32>
    %reduce_sum3A_69 = vector.multi_reduction <add>, %select_n3A, %reduce_sum3A_68 [0] : vector<10240x64xf32> to vector<64xf32>
    %broadcast_in_dim3A_70 = vector.shape_cast %reduce_sum3A_69 : vector<64xf32> to vector<1x64xf32>
    %mul3A_71 = arith.constant 9.99999974E-5 : f32
    %mul3A_72 = vector.broadcast %mul3A_71 : f32 to vector<1x64xf32>
    %mul3A_73 = arith.mulf %broadcast_in_dim3A_70, %mul3A_72 : vector<1x64xf32>
    %get3A_74 = arith.constant 0 : index
    %get3A_75 = arith.constant 0 : index
    %get3A_76 = vector.load %arg4[%get3A_74, %get3A_75] : memref<1x16xf32, #tpu.memory_space<vmem>>, vector<1x16xf32>
    %concatenate3A = tpu.concatenate %mul3A_73, %get3A_76 in 1 : vector<1x64xf32>, vector<1x16xf32> -> vector<1x80xf32>
    %get3A_77 = arith.constant 0 : index
    %get3A_78 = arith.constant 0 : index
    %get3A_79 = vector.load %arg11[%get3A_77, %get3A_78] : memref<80x64xf32, #tpu.memory_space<vmem>>, vector<80x64xf32>
    %dot_general3A_80 = arith.constant dense<0.000000e+00> : vector<1x64xf32>
    %dot_general3A_81 = tpu.matmul %concatenate3A, %get3A_79, %dot_general3A_80 {dimension_numbers = #tpu.dot_dimension_numbers<[1], [0], [0], [1], [0, 0, 1, 1], [], []>, transpose_lhs_hint = false} : vector<1x80xf32>, vector<80x64xf32>, vector<1x64xf32> -> vector<1x64xf32>
    %get3A_82 = arith.constant 0 : index
    %get3A_83 = arith.constant 0 : index
    %get3A_84 = vector.load %arg12[%get3A_82, %get3A_83] : memref<1x64xf32, #tpu.memory_space<vmem>>, vector<1x64xf32>
    %add3A_85 = arith.addf %dot_general3A_81, %get3A_84 : vector<1x64xf32>
    %get3A_86 = arith.constant 0 : index
    %get3A_87 = arith.constant 0 : index
    %get3A_88 = vector.load %arg13[%get3A_86, %get3A_87] : memref<1x64xf32, #tpu.memory_space<vmem>>, vector<1x64xf32>
    %get3A_89 = arith.constant 0 : index
    %get3A_90 = arith.constant 0 : index
    %get3A_91 = vector.load %arg14[%get3A_89, %get3A_90] : memref<1x64xf32, #tpu.memory_space<vmem>>, vector<1x64xf32>
    %reduce_sum3A_92 = arith.constant dense<0.000000e+00> : vector<1xf32>
    %reduce_sum3A_93 = vector.multi_reduction <add>, %add3A_85, %reduce_sum3A_92 [1] : vector<1x64xf32> to vector<1xf32>
    %broadcast_in_dim3A_94 = vector.shape_cast %reduce_sum3A_93 : vector<1xf32> to vector<1x1xf32>
    %div3A_95 = arith.constant 6.400000e+01 : f32
    %div3A_96 = vector.broadcast %div3A_95 : f32 to vector<1x1xf32>
    %div3A_97 = arith.divf %broadcast_in_dim3A_94, %div3A_96 : vector<1x1xf32>
    %sub3A_98 = vector.broadcast %div3A_97 : vector<1x1xf32> to vector<1x64xf32>
    %sub3A_99 = arith.subf %add3A_85, %sub3A_98 : vector<1x64xf32>
    %integer_pow3A_100 = arith.mulf %sub3A_99, %sub3A_99 : vector<1x64xf32>
    %reduce_sum3A_101 = arith.constant dense<0.000000e+00> : vector<1xf32>
    %reduce_sum3A_102 = vector.multi_reduction <add>, %integer_pow3A_100, %reduce_sum3A_101 [1] : vector<1x64xf32> to vector<1xf32>
    %broadcast_in_dim3A_103 = vector.shape_cast %reduce_sum3A_102 : vector<1xf32> to vector<1x1xf32>
    %div3A_104 = arith.constant 6.400000e+01 : f32
    %div3A_105 = vector.broadcast %div3A_104 : f32 to vector<1x1xf32>
    %div3A_106 = arith.divf %broadcast_in_dim3A_103, %div3A_105 : vector<1x1xf32>
    %sub3A_107 = vector.broadcast %div3A_97 : vector<1x1xf32> to vector<1x64xf32>
    %sub3A_108 = arith.subf %add3A_85, %sub3A_107 : vector<1x64xf32>
    %add3A_109 = arith.constant 9.99999974E-6 : f32
    %add3A_110 = vector.broadcast %add3A_109 : f32 to vector<1x1xf32>
    %add3A_111 = arith.addf %div3A_106, %add3A_110 : vector<1x1xf32>
    %sqrt3A_112 = math.sqrt %add3A_111 : vector<1x1xf32>
    %div3A_113 = vector.broadcast %sqrt3A_112 : vector<1x1xf32> to vector<1x64xf32>
    %div3A_114 = arith.divf %sub3A_108, %div3A_113 : vector<1x64xf32>
    %mul3A_115 = arith.mulf %div3A_114, %get3A_88 : vector<1x64xf32>
    %add3A_116 = arith.addf %mul3A_115, %get3A_91 : vector<1x64xf32>
    %max3A = arith.constant 0.000000e+00 : f32
    %max3A_117 = vector.broadcast %max3A : f32 to vector<1x64xf32>
    %max3A_118 = arith.maximumf %add3A_116, %max3A_117 : vector<1x64xf32>
    %get3A_119 = arith.constant 0 : index
    %get3A_120 = arith.constant 0 : index
    %get3A_121 = vector.load %arg15[%get3A_119, %get3A_120] : memref<64x32xf32, #tpu.memory_space<vmem>>, vector<64x32xf32>
    %dot_general3A_122 = arith.constant dense<0.000000e+00> : vector<1x32xf32>
    %dot_general3A_123 = tpu.matmul %max3A_118, %get3A_121, %dot_general3A_122 {dimension_numbers = #tpu.dot_dimension_numbers<[1], [0], [0], [1], [0, 0, 1, 1], [], []>, transpose_lhs_hint = false} : vector<1x64xf32>, vector<64x32xf32>, vector<1x32xf32> -> vector<1x32xf32>
    %get3A_124 = arith.constant 0 : index
    %get3A_125 = arith.constant 0 : index
    %get3A_126 = vector.load %arg16[%get3A_124, %get3A_125] : memref<1x32xf32, #tpu.memory_space<vmem>>, vector<1x32xf32>
    %add3A_127 = arith.addf %dot_general3A_123, %get3A_126 : vector<1x32xf32>
    %get3A_128 = arith.constant 0 : index
    %get3A_129 = arith.constant 0 : index
    %get3A_130 = vector.load %arg17[%get3A_128, %get3A_129] : memref<1x32xf32, #tpu.memory_space<vmem>>, vector<1x32xf32>
    %get3A_131 = arith.constant 0 : index
    %get3A_132 = arith.constant 0 : index
    %get3A_133 = vector.load %arg18[%get3A_131, %get3A_132] : memref<1x32xf32, #tpu.memory_space<vmem>>, vector<1x32xf32>
    %reduce_sum3A_134 = arith.constant dense<0.000000e+00> : vector<1xf32>
    %reduce_sum3A_135 = vector.multi_reduction <add>, %add3A_127, %reduce_sum3A_134 [1] : vector<1x32xf32> to vector<1xf32>
    %broadcast_in_dim3A_136 = vector.shape_cast %reduce_sum3A_135 : vector<1xf32> to vector<1x1xf32>
    %div3A_137 = arith.constant 3.200000e+01 : f32
    %div3A_138 = vector.broadcast %div3A_137 : f32 to vector<1x1xf32>
    %div3A_139 = arith.divf %broadcast_in_dim3A_136, %div3A_138 : vector<1x1xf32>
    %sub3A_140 = vector.broadcast %div3A_139 : vector<1x1xf32> to vector<1x32xf32>
    %sub3A_141 = arith.subf %add3A_127, %sub3A_140 : vector<1x32xf32>
    %integer_pow3A_142 = arith.mulf %sub3A_141, %sub3A_141 : vector<1x32xf32>
    %reduce_sum3A_143 = arith.constant dense<0.000000e+00> : vector<1xf32>
    %reduce_sum3A_144 = vector.multi_reduction <add>, %integer_pow3A_142, %reduce_sum3A_143 [1] : vector<1x32xf32> to vector<1xf32>
    %broadcast_in_dim3A_145 = vector.shape_cast %reduce_sum3A_144 : vector<1xf32> to vector<1x1xf32>
    %div3A_146 = arith.constant 3.200000e+01 : f32
    %div3A_147 = vector.broadcast %div3A_146 : f32 to vector<1x1xf32>
    %div3A_148 = arith.divf %broadcast_in_dim3A_145, %div3A_147 : vector<1x1xf32>
    %sub3A_149 = vector.broadcast %div3A_139 : vector<1x1xf32> to vector<1x32xf32>
    %sub3A_150 = arith.subf %add3A_127, %sub3A_149 : vector<1x32xf32>
    %add3A_151 = arith.constant 9.99999974E-6 : f32
    %add3A_152 = vector.broadcast %add3A_151 : f32 to vector<1x1xf32>
    %add3A_153 = arith.addf %div3A_148, %add3A_152 : vector<1x1xf32>
    %sqrt3A_154 = math.sqrt %add3A_153 : vector<1x1xf32>
    %div3A_155 = vector.broadcast %sqrt3A_154 : vector<1x1xf32> to vector<1x32xf32>
    %div3A_156 = arith.divf %sub3A_150, %div3A_155 : vector<1x32xf32>
    %mul3A_157 = arith.mulf %div3A_156, %get3A_130 : vector<1x32xf32>
    %add3A_158 = arith.addf %mul3A_157, %get3A_133 : vector<1x32xf32>
    %max3A_159 = arith.constant 0.000000e+00 : f32
    %max3A_160 = vector.broadcast %max3A_159 : f32 to vector<1x32xf32>
    %max3A_161 = arith.maximumf %add3A_158, %max3A_160 : vector<1x32xf32>
    %get3A_162 = arith.constant 0 : index
    %get3A_163 = arith.constant 0 : index
    %get3A_164 = vector.load %arg19[%get3A_162, %get3A_163] : memref<32x1xf32, #tpu.memory_space<vmem>>, vector<32x1xf32>
    %dot_general3A_165 = arith.constant dense<0.000000e+00> : vector<1x1xf32>
    %dot_general3A_166 = tpu.matmul %max3A_161, %get3A_164, %dot_general3A_165 {dimension_numbers = #tpu.dot_dimension_numbers<[1], [0], [0], [1], [0, 0, 1, 1], [], []>, transpose_lhs_hint = false} : vector<1x32xf32>, vector<32x1xf32>, vector<1x1xf32> -> vector<1x1xf32>
    %get3A_167 = arith.constant 0 : index
    %get3A_168 = arith.constant 0 : index
    %get3A_169 = vector.load %arg20[%get3A_167, %get3A_168] : memref<1x1xf32, #tpu.memory_space<vmem>>, vector<1x1xf32>
    %add3A_170 = arith.addf %dot_general3A_166, %get3A_169 : vector<1x1xf32>
    %swap3A = arith.constant 0 : index
    %swap3A_171 = arith.constant 0 : index
    %swap3A_172 = vector.load %arg21[%swap3A, %swap3A_171] : memref<1x1xf32, #tpu.memory_space<vmem>>, vector<1x1xf32>
    tpu.vector_store %arg21[%swap3A, %swap3A_171], %add3A_170 {strides = array<i32>} : memref<1x1xf32, #tpu.memory_space<vmem>>, vector<1x1xf32>,
    return
  }
}

</mosaic_0001>

<sc_bundles>
// kernel: kernel.12.cloned.1.call-start
scs
__scs_entry_jumppad:
0x0: {  	(pc) =	sbr.rel $0x88, $3  }
0x1: {  	(tag) =	ssettag $0x0;
	lr =	simm.s32 $0x1  }
0x2: {  	[smem:$0x3F7B] =	sst lr;
	_ =	strace $0xD0000000  }
0x3: {  	_ = 	snop  }
0x4: {  	_ = 	snop  }
0x5: {  	_ = 	snop  }
0x6: {  	_ = 	snop  }
0x7: {  	_ = 	snop  }
__scs_overlays_trampoline_lowered:
0x8: {  	[smem:$0x3F8A] =	sst s0  }
0x9: {  	[smem:$0x3F8B] =	sst s1  }
0xa: {  	[smem:$0x3F8C] =	sst s2  }
0xb: {  	[smem:$0x3F8D] =	sst s3  }
0xc: {  	[smem:$0x3F8E] =	sst s4  }
0xd: {  	[smem:$0x3F8F] =	sst s5  }
0xe: {  	[smem:$0x3F90] =	sst s6  }
0xf: {  	[smem:$0x3F91] =	sst s7  }
0x10: {  	[smem:$0x3F92] =	sst s8  }
0x11: {  	[smem:$0x3F93] =	sst s9;
	s0 =	simm.s32 @!p0 $0x0  }
0x12: {  	s1 =	sld [smem:$0x3F79];
	s0 =	simm.s32 @p0 $0x1  }
0x13: {  	[smem:$0x3F94] =	sst s0;
	s0 =	simm.s32 @!p1 $0x0  }
0x14: {  	s2 =	sld [smem:$0x3F78];
	s0 =	simm.s32 @p1 $0x1  }
0x15: {  	[smem:$0x3F95] =	sst s0;
	s0 =	simm.s32 @!p2 $0x0  }
0x16: {  	s3 =	sld [smem:$0x3FDB];
	s0 =	simm.s32 @p2 $0x1  }
0x17: {  	s4 =	simm.s32 $0x1BF5;
	[smem:$0x3F97] =	sst s0  }
0x18: {  	s0 =	sld [smem:$0x3F7A];
	_ =	swait.ge [sflag:s4], $0x0  }
0x19: {  	s7 =	sld [smem:$0x3F7B]  }
0x1a: {  	s8 =	sadd.s32 $0xFFFFE003, lr  }
0x1b: {  	s9 =	sadd.s32 $0xFFFFFEF7, lr;
	s5 =	simm.s32 $0xFFFFFFFF;
	p2 =	slt.u32 s8, $0xFFFFF086  }
0x1c: {  	p1 =	slt.u32 s9, $0xF7A;
	s5 =	simm.s32 @!p2 $0x0  }
0x1d: {  	s5 =	simm.s32 @p1 $0x1;
	p0 =	seq.s32 s7, s2  }
0x1e: {  	s7 =	smul.u32 @!p0 $0xF7A, s2;
	p2 =	seq.s32 @!p0 s5, $0x0  }
0x1f: {  	s9 =	smul.u32 $0xF7A, s1;
	s8 =	simm.s32 @!p0 $0x1BF5;
	p2 =	por !p2, p0  }
0x20: {  	[sflag:s8] =	ssyncset.s32 @!p0 $0xFFFFF086;
	s6 =	sadd.s32 @!p0 s3, s7;
	s7 =	simm.s32 @!p0 $0x108  }
0x21: {  	s3 =	sadd.s32 s3, s9;
	s6 =	sadd.s32 @!p0 $0x88, s6;
	s7 =	simm.s32 @p2 $0x1082  }
0x22: {  	[simem:s7], [sflag:s8] =	dma.local @!p0 [hbm:s6], $0xF7A  }
0x23: {  	s9 =	sor.u32 $0xD0000000, s2;
	s6 =	simm.s32 $0x108;
	_ =	swait.ge @!p0 [sflag:s8], $0x0  }
0x24: {  	s3 =	sadd.s32 $0x88, s3;
	s6 =	simm.s32 @!p1 $0x1082;
	[sflag:s4] =	ssyncset.s32 $0xFFFFF086  }
0x25: {  	[simem:s6], [sflag:s4] =	dma.local [hbm:s3], $0xF7A  }
0x26: {  	[smem:$0x3F7B] =	sst s1;
	(tag) =	ssettag s2;
	_ =	strace s9  }
0x27: {  	s1 =	sld [smem:$0x3F8B]  }
0x28: {  	s2 =	sld [smem:$0x3F8C]  }
0x29: {  	s4 =	sld [smem:$0x3F8E]  }
0x2a: {  	p0 =	seq.s32 s5, $0x0;
	s5 =	sld [smem:$0x3F8F]  }
0x2b: {  	s6 =	sld [smem:$0x3F90]  }
0x2c: {  	s7 =	sld [smem:$0x3F91]  }
0x2d: {  	s3 =	simm.s32 $0x108;
	s8 =	sld [smem:$0x3F92]  }
0x2e: {  	s3 =	simm.s32 @!p0 $0x1082;
	s9 =	sld [smem:$0x3F93]  }
0x2f: {  	lr =	sadd.s32 s0, s3;
	s0 =	sld [smem:$0x3F8A]  }
0x30: {  	s3 =	sld [smem:$0x3F8D]  }
0x31: {  	[smem:$0x3F96] =	sst s10  }
0x32: {  	s10 =	sld [smem:$0x3F94];
	_ =	sdelay $0x3  }
0x33: {  	p0 =	seq.s32 s10, $0x1;
	s10 =	sld [smem:$0x3F96];
	_ =	sdelay $0x3  }
0x34: {  	[smem:$0x3F96] =	sst s10  }
0x35: {  	s10 =	sld [smem:$0x3F95];
	_ =	sdelay $0x3  }
0x36: {  	p1 =	seq.s32 s10, $0x1;
	s10 =	sld [smem:$0x3F96];
	_ =	sdelay $0x3  }
0x37: {  	[smem:$0x3F96] =	sst s10  }
0x38: {  	s10 =	sld [smem:$0x3F97]  }
0x39: {  	_ = 	snop;
	(pc) =	sbr.ind lr, $3  }
0x3a: {  	_ = 	snop  }
0x3b: {  	_ = 	snop  }
0x3c: {  	p2 =	seq.s32 s10, $0x1;
	s10 =	sld [smem:$0x3F96]  }
0x3d: {  	_ =	shalt  }
0x3e: {  	_ =	shalt  }
0x3f: {  	_ =	shalt  }
0x40: {  	_ =	shalt  }
0x41: {  	_ =	shalt  }
0x42: {  	_ =	shalt  }
0x43: {  	_ =	shalt  }
0x44: {  	_ =	shalt  }
0x45: {  	_ =	shalt  }
0x46: {  	_ =	shalt  }
0x47: {  	_ =	shalt  }
0x48: {  	_ =	shalt  }
0x49: {  	_ =	shalt  }
0x4a: {  	_ =	shalt  }
0x4b: {  	_ =	shalt  }
0x4c: {  	_ =	shalt  }
0x4d: {  	_ =	shalt  }
0x4e: {  	_ =	shalt  }
0x4f: {  	_ =	shalt  }
0x50: {  	_ =	shalt  }
0x51: {  	_ =	shalt  }
0x52: {  	_ =	shalt  }
0x53: {  	_ =	shalt  }
0x54: {  	_ =	shalt  }
0x55: {  	_ =	shalt  }
0x56: {  	_ =	shalt  }
0x57: {  	_ =	shalt  }
0x58: {  	_ =	shalt  }
0x59: {  	_ =	shalt  }
0x5a: {  	_ =	shalt  }
0x5b: {  	_ =	shalt  }
0x5c: {  	_ =	shalt  }
0x5d: {  	_ =	shalt  }
0x5e: {  	_ =	shalt  }
0x5f: {  	_ =	shalt  }
0x60: {  	_ =	shalt  }
0x61: {  	_ =	shalt  }
0x62: {  	_ =	shalt  }
0x63: {  	_ =	shalt  }
0x64: {  	_ =	shalt  }
0x65: {  	_ =	shalt  }
0x66: {  	_ =	shalt  }
0x67: {  	_ =	shalt  }
0x68: {  	_ =	shalt  }
0x69: {  	_ =	shalt  }
0x6a: {  	_ =	shalt  }
0x6b: {  	_ =	shalt  }
0x6c: {  	_ =	shalt  }
0x6d: {  	_ =	shalt  }
0x6e: {  	_ =	shalt  }
0x6f: {  	_ =	shalt  }
0x70: {  	_ =	shalt  }
0x71: {  	_ =	shalt  }
0x72: {  	_ =	shalt  }
0x73: {  	_ =	shalt  }
0x74: {  	_ =	shalt  }
0x75: {  	_ =	shalt  }
0x76: {  	_ =	shalt  }
0x77: {  	_ =	shalt  }
0x78: {  	_ =	shalt  }
0x79: {  	_ =	shalt  }
0x7a: {  	_ =	shalt  }
0x7b: {  	_ =	shalt  }
0x7c: {  	_ =	shalt  }
0x7d: {  	_ =	shalt  }
0x7e: {  	_ =	shalt  }
0x7f: {  	_ =	shalt  }
0x80: {  	_ =	shalt  }
0x81: {  	_ =	shalt  }
0x82: {  	_ =	shalt  }
0x83: {  	_ =	shalt  }
0x84: {  	_ =	shalt  }
0x85: {  	_ =	shalt  }
0x86: {  	_ =	shalt  }
0x87: {  	_ =	shalt  }
.Lfunc_end0:
.L_simem_size_0:
called_computation.1_lowered:
.L_overlay_start_0:
0x88: {  	s2 =	sld [smem:$0x3FD9]  }
0x89: {  	s3 =	sld [smem:$0x3FFE];
	_ =	sdelay $0x1  }
0x8a: {  	s1 =	srdreg.scid  }
0x8b: {  	s0 =	sand.u32 $0x1, s1  }
0x8c: {  	s16 =	sshll.u32 s0, $0xA;
	s2 =	sadd.s32 s3, s2  }
0x8d: {  	s2 =	sadd.s32 s2, s16  }
0x8e: {  	[smem:$0x3FA2] =	sst s2  }
0x8f: {  	_ = 	snop  }
0x90: {  	(tm) =	ssettm $0x1  }
0x91: {  	s17 =	sld [smem:$0x3FFB];
	_ =	sdelay $0x3  }
0x92: {  	_ =	strace s17  }
0x93: {  	s2 =	sld [smem:$0x3FFC];
	_ =	sdelay $0x3  }
0x94: {  	_ =	strace s2  }
0x95: {  	s2 =	sld [smem:$0x3FFD];
	_ =	sdelay $0x3  }
0x96: {  	_ =	strace s2  }
0x97: {  	_ =	strace $0x8FFFFFFF  }
0x98: {  	s18 =	sld [smem:$0x3FDB];
	_ =	sdelay $0x1  }
0x99: {  	s19 =	simm.s32 $_scs_section_size  }
0x9a: {  	s4 =	simm.s32 $_size__tile_overlayer_lowered;
	s5 =	simm.s32 $_tile_overlayer_lowered  }
0x9b: {  	s22 =	simm.s32 $0x1BFF;
	s21 =	sshll.u32 s5, $0x1;
	s2 =	sadd.s32 s19, s18  }
0x9c: {  	s6 =	simm.s32 $0x0;
	s20 =	sshll.u32 s4, $0x1;
	s4 =	sadd.s32 s21, s2  }
0x9d: {  	[timem:s6], [sflag:s22] =	dma.local [hbm:s4], s20  }
0x9e: {  	_ =	swait.ge [sflag:s22], s20  }
0x9f: {  	s3 =	ssub.s32 $0x0, s20;
	[sflag:s22] =	ssyncset.done $0x0  }
0xa0: {  	[sflag:s22] =	ssyncadd.s32 s3;
	_ =	sdelay $0x1  }
0xa1: {  	s23 =	simm.s32 $0x1B8B  }
0xa2: {  	_ =	swait.ge [sflag:s23], $0x1  }
0xa3: {  	[sflag:s23] =	ssyncset.done $0x0  }
0xa4: {  	s25 =	simm.s32 $0x1B8E;
	s24 =	sld [smem:$0x3FFE];
	[sflag:s23] =	ssyncadd.s32 $0xFFFFFFFF  }
0xa5: {  	s26 =	simm.s32 $execute0_lowered;
	[smem:$0x3FD2] =	sst s25  }
0xa6: {  	s4 =	sshll.u32 s26, $0x1;
	_ =	strace $0x80000049;
	[dreg:$0x1] =	wrdreg $0xFFFFFFFF  }
0xa7: {  	s28 =	simm.s32 $_size_execute0_lowered;
	s2 =	sadd.s32 s2, s4;
	[dreg:$0x0] =	wrdreg $0x0  }
0xa8: {  	s4 =	sshll.u32 s28, $0x1;
	[dreg:$0x2] =	wrdreg s2  }
0xa9: {  	[dreg:$0x3] =	wrdreg s4  }
0xaa: {  	[dreg:$0x4] =	wrdreg $0xC0  }
0xab: {  	_ =	task [dreg:s6], $0x5FFFF  }
0xac: {  	[dreg:$0x1] =	wrdreg $0xFFFFFFFF  }
0xad: {  	[dreg:$0x0] =	wrdreg $0x60  }
0xae: {  	[dreg:$0x2] =	wrdreg s24  }
0xaf: {  	[dreg:$0x3] =	wrdreg $0xB4A00  }
0xb0: {  	[dreg:$0x4] =	wrdreg $0x9  }
0xb1: {  	_ =	task.clear_ibuf [dreg:s6], $0x5FFFF;
	_ =	strace $0x90000049  }
0xb2: {  	s29 =	simm.s32 $0x9;
	_ =	strace $0x8000004B  }
0xb3: {  	_ =	swait.ge [sflag:s29], $0x1  }
0xb4: {  	[sflag:s29] =	ssyncadd.s32 $0xFFFFFFFF  }
0xb5: {  	_ =	strace $0x9000004B  }
0xb6: {  	_ =	sfence  }
0xb7: {  	s30 =	sld [smem:$0x0];
	_ =	sdelay $0x2  }
0xb8: {  	s31 =	sshll.u32 s1, $0xD;
	s1 =	sshrl.u32 s1, $0x2  }
0xb9: {  	s3 =	sand.u32 $0x4000, s31;
	s1 =	sadd.s32 s1, s30  }
0xba: {  	s0 =	sor.u32 s3, s0;
	s1 =	sshll.u32 s1, $0x11  }
0xbb: {  	s0 =	sor.u32 s1, s0  }
0xbc: {  	s0 =	sadd.s32 $0x8F2B, s0  }
0xbd: {  	[sflag:s0] =	ssyncadd.remote.s32 $0x1  }
0xbe: {  	_ =	sfence.sel $0xFFFF  }
0xbf: {  	[dreg:$0x0] =	wrdreg $0xFFFFFFFF;
	(pc) =	sbr.abs _section_cstart, $3  }
0xc0: {  	[dreg:$0x1] =	wrdreg $0xFFFFFFFF  }
0xc1: {  	_ =	task.clear_ibuf [dreg:s6], $0x2FFFF;
	_ =	strace $0x9FFFFFFF  }
0xc2: {  	(tm) =	ssettm $0x7FFFFFFF  }
0xc3: {  	_ =	shalt  }
tec
execute0_lowered:
.L_overlay_start_1:
0x0: {  	(tag) =	ssettag $0x1  }
0x1: {  	s1 =	srdreg.scid;
	s7 =	rddreg [dreg:$0x0]  }
0x2: {  	s0 =	stileid.u32;
	s2 =	rddreg [dreg:$0x1];
	s3 =	simm.s32 $0x0  }
0x3: {  	s11 =	simm.s32 $0x2EA00;
	s12 =	simm.s32 $0x50;
	s13 =	simm.s32 $0xA0  }
0x4: {  	s14 =	simm.s32 $0x1;
	s17 =	simm.s32 $0x0;
	s4 =	smul.u32 $0x4E20, s0  }
0x5: {  	s5 =	sand.u32 $0x1, s1;
	s1 =	rddreg [dreg:$0x2];
	s8 =	smul.u32 $0xA000, s0  }
0x6: {  	[smem:$0x7FF] =	sst s3;
	s15 =	sshll.u32 s0, $0x6;
	s6 =	smul.u32 $0x2710, s5  }
0x7: {  	_ =	strace $0x8000004A;
	s31 =	ssub.s32 $0x2, s5;
	p0 =	seq.s32 s5, $0x1  }
0x8: {  	s15 =	sor.u32 $0x1C02, s15;
	s10 =	sshrl.u32 s31, $0x1;
	s5 =	sadd.s32 s8, s2  }
0x9: {  	s11 =	simm.s32 @!p0 $0x42A00;
	s8 =	sshrl.u32 s8, $0x3;
	s6 =	sadd.s32 s6, s4  }
0xa: {  	s4 =	sadd.s32 $0x1AA00, s7;
	s16 =	sshrl.u32 s5, $0x3;
	s6 =	sshrl.u32 s6, $0x3  }
0xb: {  	s9 =	sadd.s32 s6, s7;
	s6 =	ssub.s32 s31, s10;
	s7 =	sadd.s32 s11, s7  }
0xc: {  	s10 =	simm.s32 $0x14A0;
	s11 =	simm.s32 $0x2;
	s6 =	smax.u32 s6, $0x1  }
0xd: {  	v0 =	vimm.f32 $0.0e+00;
	s7 =	sadd.s32 s7, s8;
	s8 =	sadd.s32 $0x6E00, s9;
	s9 =	sadd.s32 $0x10C00, s9  }
.LBB2_1:
0xe: {  	s19 =	simm.s32 $0x100;
	s18 =	simm.s32 $0x0  }
.LBB2_2:
0xf: {  	p0 =	sne.s32 s19, $0x27F00;
	[tilespmem:s18+$0x14D0] =	vst v0;
	s20 =	smov.u32 s19;
	s19 =	sadd.s32 $0x100, s19  }
.Ltmp0:
0x10: {  	[tilespmem:s18+$0x14C0] =	vst v0;
	(pc) =	sbr.rel @p0 .LBB2_2-.Ltmp0, $3  }
0x11: {  	[tilespmem:s18+$0x14A0] =	vst v0  }
0x12: {  	[tilespmem:s18+$0x14B0] =	vst v0;
	_ =	sdelay $0x1  }
0x13: {  	s18 =	sshra.s32 s20, $0x2  }
0x14: {  	[tilespmem:s18+$0x14D0] =	vst v0  }
0x15: {  	[tilespmem:s18+$0x14C0] =	vst v0  }
0x16: {  	[tilespmem:s18+$0x14A0] =	vst v0  }
0x17: {  	[tilespmem:s18+$0x14B0] =	vst v0  }
0x18: {  	[spmem:s5] =	stream.linear.scatter [tilespmem:s10], [sflag:$0x2], $0xA000, $0x38;
	[tilespmem:$0x154A0] =	vst v63  }
0x19: {  	_ =	swait.ge [sflag:s11], $0xA000  }
0x1a: {  	[sflag:s11] =	ssyncset.done $0x0  }
0x1b: {  	[sflag:s11] =	ssyncadd.s32 $0xFFFF6000  }
0x1c: {  	s30 =	sadd.s32 $0x0, s9;
	[bflag:$0x0] =	sbarrier.arrive $0xFFFF  }
0x1d: {  	[tilespmem:s3], [sflag:$0x2] =	stream.linear.gather [hbm4b:s30+s3], $0x50, $0x38;
	[tilespmem:$0x154A0] =	vst v63  }
0x1e: {  	_ =	swait.ge [sflag:s11], $0x50  }
0x1f: {  	[sflag:s11] =	ssyncset.done $0x0  }
0x20: {  	[sflag:s11] =	ssyncadd.s32 $0xFFFFFFB0  }
0x21: {  	[tilespmem:s13], [sflag:$0x1] =	stream.indirect.gather [hbm4b:s4+s12], $0x40, s3, s12, $0xb8;
	[tilespmem:$0x154A0] =	vst v63  }
0x22: {  	_ =	swait.ge [sflag:s14], $0x1400  }
0x23: {  	[sflag:s14] =	ssyncset.done $0x0  }
0x24: {  	s31 =	sadd.s32 $0x0, s8;
	[sflag:s14] =	ssyncadd.s32 $0xFFFFEC00  }
0x25: {  	[tilespmem:s12], [sflag:$0x2] =	stream.linear.gather [hbm4b:s31+s3], $0x50, $0x38;
	[tilespmem:$0x154A0] =	vst v63  }
0x26: {  	_ =	swait.ge [sflag:s11], $0x50  }
0x27: {  	[sflag:s11] =	ssyncset.done $0x0  }
0x28: {  	[sflag:s11] =	ssyncadd.s32 $0xFFFFFFB0  }
0x29: {  	[spmem:s2] =	stream.indirect.scatter.add.f32 [tilespmem:s13], [sflag:$0x2], $0x40, s12, s12, $0xb8;
	[tilespmem:$0x154A0] =	vst v63  }
0x2a: {  	_ =	swait.ge [sflag:s11], $0x1400  }
0x2b: {  	s18 =	simm.s32 $0xA;
	s19 =	simm.s32 $0x14;
	[sflag:s11] =	ssyncset.done $0x0  }
.LBB2_4:
0x2c: {  	s20 =	sadd.s32 s18, s9  }
0x2d: {  	[sflag:s11] =	ssyncadd.s32 $0xFFFFEC00;
	s21 =	smov.u32 s19;
	s22 =	sadd.s32 $0xA, s19  }
0x2e: {  	[tilespmem:s3], [sflag:$0x2] =	stream.linear.gather [hbm4b:s20+s3], $0x50, $0x38;
	[tilespmem:$0x154A0] =	vst v63  }
0x2f: {  	p0 =	sne.s32 s19, $0x4D8;
	_ =	swait.ge [sflag:s11], $0x50  }
0x30: {  	[sflag:s11] =	ssyncset.done $0x0  }
0x31: {  	[sflag:s11] =	ssyncadd.s32 $0xFFFFFFB0  }
0x32: {  	[tilespmem:s13], [sflag:$0x1] =	stream.indirect.gather [hbm4b:s4+s12], $0x40, s3, s12, $0xb8;
	[tilespmem:$0x154A0] =	vst v63  }
0x33: {  	_ =	swait.ge [sflag:s14], $0x1400  }
0x34: {  	[sflag:s14] =	ssyncset.done $0x0  }
0x35: {  	s19 =	sadd.s32 s18, s8;
	s18 =	smov.u32 s21;
	[sflag:s14] =	ssyncadd.s32 $0xFFFFEC00  }
0x36: {  	[tilespmem:s12], [sflag:$0x2] =	stream.linear.gather [hbm4b:s19+s3], $0x50, $0x38;
	[tilespmem:$0x154A0] =	vst v63  }
0x37: {  	_ =	swait.ge [sflag:s11], $0x50  }
.Ltmp1:
0x38: {  	[sflag:s11] =	ssyncset.done $0x0;
	(pc) =	sbr.rel @p0 .LBB2_4-.Ltmp1, $4  }
0x39: {  	[sflag:s11] =	ssyncadd.s32 $0xFFFFFFB0  }
0x3a: {  	[spmem:s2] =	stream.indirect.scatter.add.f32 [tilespmem:s13], [sflag:$0x2], $0x40, s12, s12, $0xb8;
	[tilespmem:$0x154A0] =	vst v63  }
0x3b: {  	_ =	swait.ge [sflag:s11], $0x1400  }
0x3c: {  	s19 =	smov.u32 s22;
	[sflag:s11] =	ssyncset.done $0x0  }
0x3d: {  	s19 =	sadd.s32 s18, s9;
	[sflag:s11] =	ssyncadd.s32 $0xFFFFEC00  }
0x3e: {  	[tilespmem:s3], [sflag:$0x2] =	stream.linear.gather [hbm4b:s19+s3], $0x50, $0x38;
	[tilespmem:$0x154A0] =	vst v63  }
0x3f: {  	_ =	swait.ge [sflag:s11], $0x50  }
0x40: {  	[sflag:s11] =	ssyncset.done $0x0  }
0x41: {  	[sflag:s11] =	ssyncadd.s32 $0xFFFFFFB0  }
0x42: {  	[tilespmem:s13], [sflag:$0x1] =	stream.indirect.gather [hbm4b:s4+s12], $0x40, s3, s12, $0xb8;
	[tilespmem:$0x154A0] =	vst v63  }
0x43: {  	_ =	swait.ge [sflag:s14], $0x1400  }
0x44: {  	[sflag:s14] =	ssyncset.done $0x0  }
0x45: {  	s31 =	sadd.s32 s18, s8;
	[sflag:s14] =	ssyncadd.s32 $0xFFFFEC00  }
0x46: {  	[tilespmem:s12], [sflag:$0x2] =	stream.linear.gather [hbm4b:s31+s3], $0x50, $0x38;
	[tilespmem:$0x154A0] =	vst v63  }
0x47: {  	_ =	swait.ge [sflag:s11], $0x50  }
0x48: {  	[sflag:s11] =	ssyncset.done $0x0  }
0x49: {  	[sflag:s11] =	ssyncadd.s32 $0xFFFFFFB0  }
0x4a: {  	[spmem:s2] =	stream.indirect.scatter.add.f32 [tilespmem:s13], [sflag:$0x2], $0x40, s12, s12, $0xb8;
	[tilespmem:$0x154A0] =	vst v63  }
0x4b: {  	_ =	swait.ge [sflag:s11], $0x1400  }
0x4c: {  	s17 =	sadd.s32 $0x1, s17;
	[sflag:s11] =	ssyncset.done $0x0  }
0x4d: {  	p0 =	sne.s32 s17, s6;
	[sflag:s11] =	ssyncadd.s32 $0xFFFFEC00  }
.Ltmp2:
0x4e: {  	[bflag:$0x0] =	sbarrier.arrive $0xFFFF;
	(pc) =	sbr.rel @p0 .LBB2_1-.Ltmp2, $4  }
0x4f: {  	[hbm:s7], [sflag:s15] =	dma.local [spmem:s16], $0x1400  }
0x50: {  	_ =	swait.ge [sflag:s11], $0x1400  }
0x51: {  	[sflag:s11] =	ssyncset.done $0x0  }
0x52: {  	[sflag:s11] =	ssyncadd.s32 $0xFFFFEC00  }
0x53: {  	_ =	sfence.sel $0x180000  }
0x54: {  	[bflag:$0x0] =	sbarrier.arrive $0xFFFF  }
0x55: {  	p0 =	sne.s32 s0, $0x0;
	_ =	strace $0x9000004A  }
0x56: {  	s0 =	sadd.s32 @!p0 $0x100000, s1;
	[bflag:$0x2] =	sbarrier.arrive $0xFFFF  }
0x57: {  	[sflag:s0] =	ssyncadd.tile.s32 @!p0 $0x1;
	_ =	shalt  }
.Lfunc_end2:
_tile_overlayer_lowered:
.L_overlay_start_2:
0x58: {  	(tag) =	ssettag $0x2  }
0x59: {  	s0 =	rddreg [dreg:$0x0];
	s2 =	stileid.u32  }
0x5a: {  	s1 =	rddreg [dreg:$0x1];
	p0 =	sne.s32 s2, $0x0  }
0x5b: {  	s3 =	rddreg [dreg:$0x2];
	[bflag:$0x3] =	sbarrier.arrive $0xFFFF;
	s2 =	simm.s32 @!p0 $0x1C02  }
0x5c: {  	[timem:s3], [sflag:s2] =	dma.local @!p0 [hbm:s0], s1  }
0x5d: {  	s0 =	simm.s32 @!p0 $0x2  }
0x5e: {  	_ =	swait.ge @!p0 [sflag:s0], s1  }
0x5f: {  	s1 =	ssub.s32 @!p0 $0x0, s1;
	[sflag:s0] =	ssyncset.done @!p0 $0x0  }
0x60: {  	[sflag:s0] =	ssyncadd.s32 @!p0 s1  }
0x61: {  	[bflag:$0x3] =	sbarrier.arrive $0xFFFF  }
0x62: {  	_ =	shalt  }

// kernel: kernel.15.cloned.1.call-start
scs
__scs_entry_jumppad:
0x0: {  	(pc) =	sbr.rel $0x88, $3  }
0x1: {  	(tag) =	ssettag $0x0;
	lr =	simm.s32 $0x1  }
0x2: {  	[smem:$0x3F7B] =	sst lr;
	_ =	strace $0xD0000000  }
0x3: {  	_ = 	snop  }
0x4: {  	_ = 	snop  }
0x5: {  	_ = 	snop  }
0x6: {  	_ = 	snop  }
0x7: {  	_ = 	snop  }
__scs_overlays_trampoline_lowered:
0x8: {  	[smem:$0x3F8A] =	sst s0  }
0x9: {  	[smem:$0x3F8B] =	sst s1  }
0xa: {  	[smem:$0x3F8C] =	sst s2  }
0xb: {  	[smem:$0x3F8D] =	sst s3  }
0xc: {  	[smem:$0x3F8E] =	sst s4  }
0xd: {  	[smem:$0x3F8F] =	sst s5  }
0xe: {  	[smem:$0x3F90] =	sst s6  }
0xf: {  	[smem:$0x3F91] =	sst s7  }
0x10: {  	[smem:$0x3F92] =	sst s8  }
0x11: {  	[smem:$0x3F93] =	sst s9;
	s0 =	simm.s32 @!p0 $0x0  }
0x12: {  	s1 =	sld [smem:$0x3F79];
	s0 =	simm.s32 @p0 $0x1  }
0x13: {  	[smem:$0x3F94] =	sst s0;
	s0 =	simm.s32 @!p1 $0x0  }
0x14: {  	s2 =	sld [smem:$0x3F78];
	s0 =	simm.s32 @p1 $0x1  }
0x15: {  	[smem:$0x3F95] =	sst s0;
	s0 =	simm.s32 @!p2 $0x0  }
0x16: {  	s3 =	sld [smem:$0x3FDB];
	s0 =	simm.s32 @p2 $0x1  }
0x17: {  	s4 =	simm.s32 $0x1BF5;
	[smem:$0x3F97] =	sst s0  }
0x18: {  	s0 =	sld [smem:$0x3F7A];
	_ =	swait.ge [sflag:s4], $0x0  }
0x19: {  	s7 =	sld [smem:$0x3F7B]  }
0x1a: {  	s8 =	sadd.s32 $0xFFFFE003, lr  }
0x1b: {  	s9 =	sadd.s32 $0xFFFFFEF7, lr;
	s5 =	simm.s32 $0xFFFFFFFF;
	p2 =	slt.u32 s8, $0xFFFFF086  }
0x1c: {  	p1 =	slt.u32 s9, $0xF7A;
	s5 =	simm.s32 @!p2 $0x0  }
0x1d: {  	s5 =	simm.s32 @p1 $0x1;
	p0 =	seq.s32 s7, s2  }
0x1e: {  	s7 =	smul.u32 @!p0 $0xF7A, s2;
	p2 =	seq.s32 @!p0 s5, $0x0  }
0x1f: {  	s9 =	smul.u32 $0xF7A, s1;
	s8 =	simm.s32 @!p0 $0x1BF5;
	p2 =	por !p2, p0  }
0x20: {  	[sflag:s8] =	ssyncset.s32 @!p0 $0xFFFFF086;
	s6 =	sadd.s32 @!p0 s3, s7;
	s7 =	simm.s32 @!p0 $0x108  }
0x21: {  	s3 =	sadd.s32 s3, s9;
	s6 =	sadd.s32 @!p0 $0x88, s6;
	s7 =	simm.s32 @p2 $0x1082  }
0x22: {  	[simem:s7], [sflag:s8] =	dma.local @!p0 [hbm:s6], $0xF7A  }
0x23: {  	s9 =	sor.u32 $0xD0000000, s2;
	s6 =	simm.s32 $0x108;
	_ =	swait.ge @!p0 [sflag:s8], $0x0  }
0x24: {  	s3 =	sadd.s32 $0x88, s3;
	s6 =	simm.s32 @!p1 $0x1082;
	[sflag:s4] =	ssyncset.s32 $0xFFFFF086  }
0x25: {  	[simem:s6], [sflag:s4] =	dma.local [hbm:s3], $0xF7A  }
0x26: {  	[smem:$0x3F7B] =	sst s1;
	(tag) =	ssettag s2;
	_ =	strace s9  }
0x27: {  	s1 =	sld [smem:$0x3F8B]  }
0x28: {  	s2 =	sld [smem:$0x3F8C]  }
0x29: {  	s4 =	sld [smem:$0x3F8E]  }
0x2a: {  	p0 =	seq.s32 s5, $0x0;
	s5 =	sld [smem:$0x3F8F]  }
0x2b: {  	s6 =	sld [smem:$0x3F90]  }
0x2c: {  	s7 =	sld [smem:$0x3F91]  }
0x2d: {  	s3 =	simm.s32 $0x108;
	s8 =	sld [smem:$0x3F92]  }
0x2e: {  	s3 =	simm.s32 @!p0 $0x1082;
	s9 =	sld [smem:$0x3F93]  }
0x2f: {  	lr =	sadd.s32 s0, s3;
	s0 =	sld [smem:$0x3F8A]  }
0x30: {  	s3 =	sld [smem:$0x3F8D]  }
0x31: {  	[smem:$0x3F96] =	sst s10  }
0x32: {  	s10 =	sld [smem:$0x3F94];
	_ =	sdelay $0x3  }
0x33: {  	p0 =	seq.s32 s10, $0x1;
	s10 =	sld [smem:$0x3F96];
	_ =	sdelay $0x3  }
0x34: {  	[smem:$0x3F96] =	sst s10  }
0x35: {  	s10 =	sld [smem:$0x3F95];
	_ =	sdelay $0x3  }
0x36: {  	p1 =	seq.s32 s10, $0x1;
	s10 =	sld [smem:$0x3F96];
	_ =	sdelay $0x3  }
0x37: {  	[smem:$0x3F96] =	sst s10  }
0x38: {  	s10 =	sld [smem:$0x3F97]  }
0x39: {  	_ = 	snop;
	(pc) =	sbr.ind lr, $3  }
0x3a: {  	_ = 	snop  }
0x3b: {  	_ = 	snop  }
0x3c: {  	p2 =	seq.s32 s10, $0x1;
	s10 =	sld [smem:$0x3F96]  }
0x3d: {  	_ =	shalt  }
0x3e: {  	_ =	shalt  }
0x3f: {  	_ =	shalt  }
0x40: {  	_ =	shalt  }
0x41: {  	_ =	shalt  }
0x42: {  	_ =	shalt  }
0x43: {  	_ =	shalt  }
0x44: {  	_ =	shalt  }
0x45: {  	_ =	shalt  }
0x46: {  	_ =	shalt  }
0x47: {  	_ =	shalt  }
0x48: {  	_ =	shalt  }
0x49: {  	_ =	shalt  }
0x4a: {  	_ =	shalt  }
0x4b: {  	_ =	shalt  }
0x4c: {  	_ =	shalt  }
0x4d: {  	_ =	shalt  }
0x4e: {  	_ =	shalt  }
0x4f: {  	_ =	shalt  }
0x50: {  	_ =	shalt  }
0x51: {  	_ =	shalt  }
0x52: {  	_ =	shalt  }
0x53: {  	_ =	shalt  }
0x54: {  	_ =	shalt  }
0x55: {  	_ =	shalt  }
0x56: {  	_ =	shalt  }
0x57: {  	_ =	shalt  }
0x58: {  	_ =	shalt  }
0x59: {  	_ =	shalt  }
0x5a: {  	_ =	shalt  }
0x5b: {  	_ =	shalt  }
0x5c: {  	_ =	shalt  }
0x5d: {  	_ =	shalt  }
0x5e: {  	_ =	shalt  }
0x5f: {  	_ =	shalt  }
0x60: {  	_ =	shalt  }
0x61: {  	_ =	shalt  }
0x62: {  	_ =	shalt  }
0x63: {  	_ =	shalt  }
0x64: {  	_ =	shalt  }
0x65: {  	_ =	shalt  }
0x66: {  	_ =	shalt  }
0x67: {  	_ =	shalt  }
0x68: {  	_ =	shalt  }
0x69: {  	_ =	shalt  }
0x6a: {  	_ =	shalt  }
0x6b: {  	_ =	shalt  }
0x6c: {  	_ =	shalt  }
0x6d: {  	_ =	shalt  }
0x6e: {  	_ =	shalt  }
0x6f: {  	_ =	shalt  }
0x70: {  	_ =	shalt  }
0x71: {  	_ =	shalt  }
0x72: {  	_ =	shalt  }
0x73: {  	_ =	shalt  }
0x74: {  	_ =	shalt  }
0x75: {  	_ =	shalt  }
0x76: {  	_ =	shalt  }
0x77: {  	_ =	shalt  }
0x78: {  	_ =	shalt  }
0x79: {  	_ =	shalt  }
0x7a: {  	_ =	shalt  }
0x7b: {  	_ =	shalt  }
0x7c: {  	_ =	shalt  }
0x7d: {  	_ =	shalt  }
0x7e: {  	_ =	shalt  }
0x7f: {  	_ =	shalt  }
0x80: {  	_ =	shalt  }
0x81: {  	_ =	shalt  }
0x82: {  	_ =	shalt  }
0x83: {  	_ =	shalt  }
0x84: {  	_ =	shalt  }
0x85: {  	_ =	shalt  }
0x86: {  	_ =	shalt  }
0x87: {  	_ =	shalt  }
.Lfunc_end0:
.L_simem_size_0:
called_computation.2_lowered:
.L_overlay_start_0:
0x88: {  	s2 =	sld [smem:$0x3FD9]  }
0x89: {  	s3 =	sld [smem:$0x3FFE];
	_ =	sdelay $0x1  }
0x8a: {  	s1 =	srdreg.scid  }
0x8b: {  	s0 =	sand.u32 $0x1, s1  }
0x8c: {  	s16 =	sshll.u32 s0, $0xA;
	s2 =	sadd.s32 s3, s2  }
0x8d: {  	s2 =	sadd.s32 s2, s16  }
0x8e: {  	[smem:$0x3FA2] =	sst s2  }
0x8f: {  	_ = 	snop  }
0x90: {  	(tm) =	ssettm $0x1  }
0x91: {  	s17 =	sld [smem:$0x3FFB];
	_ =	sdelay $0x3  }
0x92: {  	_ =	strace s17  }
0x93: {  	s2 =	sld [smem:$0x3FFC];
	_ =	sdelay $0x3  }
0x94: {  	_ =	strace s2  }
0x95: {  	s2 =	sld [smem:$0x3FFD];
	_ =	sdelay $0x3  }
0x96: {  	_ =	strace s2  }
0x97: {  	_ =	strace $0x8FFFFFFF  }
0x98: {  	s18 =	sld [smem:$0x3FDB];
	_ =	sdelay $0x1  }
0x99: {  	s19 =	simm.s32 $_scs_section_size  }
0x9a: {  	s4 =	simm.s32 $_size__tile_overlayer_lowered;
	s5 =	simm.s32 $_tile_overlayer_lowered  }
0x9b: {  	s22 =	simm.s32 $0x1BFF;
	s21 =	sshll.u32 s5, $0x1;
	s2 =	sadd.s32 s19, s18  }
0x9c: {  	s6 =	simm.s32 $0x0;
	s20 =	sshll.u32 s4, $0x1;
	s4 =	sadd.s32 s21, s2  }
0x9d: {  	[timem:s6], [sflag:s22] =	dma.local [hbm:s4], s20  }
0x9e: {  	_ =	swait.ge [sflag:s22], s20  }
0x9f: {  	s3 =	ssub.s32 $0x0, s20;
	[sflag:s22] =	ssyncset.done $0x0  }
0xa0: {  	[sflag:s22] =	ssyncadd.s32 s3;
	_ =	sdelay $0x1  }
0xa1: {  	s23 =	simm.s32 $0x1B8B  }
0xa2: {  	_ =	swait.ge [sflag:s23], $0x1  }
0xa3: {  	[sflag:s23] =	ssyncset.done $0x0  }
0xa4: {  	s25 =	simm.s32 $0x1B8E;
	s24 =	sld [smem:$0x3FFE];
	[sflag:s23] =	ssyncadd.s32 $0xFFFFFFFF  }
0xa5: {  	s26 =	simm.s32 $execute0_lowered;
	[smem:$0x3FD2] =	sst s25  }
0xa6: {  	s4 =	sshll.u32 s26, $0x1;
	_ =	strace $0x8000004C;
	[dreg:$0x1] =	wrdreg $0xFFFFFFFF  }
0xa7: {  	s28 =	simm.s32 $_size_execute0_lowered;
	s2 =	sadd.s32 s2, s4;
	[dreg:$0x0] =	wrdreg $0x0  }
0xa8: {  	s4 =	sshll.u32 s28, $0x1;
	[dreg:$0x2] =	wrdreg s2  }
0xa9: {  	[dreg:$0x3] =	wrdreg s4  }
0xaa: {  	[dreg:$0x4] =	wrdreg $0xC0  }
0xab: {  	_ =	task [dreg:s6], $0x5FFFF  }
0xac: {  	[dreg:$0x1] =	wrdreg $0xFFFFFFFF  }
0xad: {  	[dreg:$0x0] =	wrdreg $0x60  }
0xae: {  	[dreg:$0x2] =	wrdreg s24  }
0xaf: {  	[dreg:$0x3] =	wrdreg $0xB4A00  }
0xb0: {  	[dreg:$0x4] =	wrdreg $0x9  }
0xb1: {  	_ =	task.clear_ibuf [dreg:s6], $0x5FFFF;
	_ =	strace $0x9000004C  }
0xb2: {  	s29 =	simm.s32 $0x9;
	_ =	strace $0x8000004E  }
0xb3: {  	_ =	swait.ge [sflag:s29], $0x1  }
0xb4: {  	[sflag:s29] =	ssyncadd.s32 $0xFFFFFFFF  }
0xb5: {  	_ =	strace $0x9000004E  }
0xb6: {  	_ =	sfence  }
0xb7: {  	s30 =	sld [smem:$0x0];
	_ =	sdelay $0x2  }
0xb8: {  	s31 =	sshll.u32 s1, $0xD;
	s1 =	sshrl.u32 s1, $0x2  }
0xb9: {  	s3 =	sand.u32 $0x4000, s31;
	s1 =	sadd.s32 s1, s30  }
0xba: {  	s0 =	sor.u32 s3, s0;
	s1 =	sshll.u32 s1, $0x11  }
0xbb: {  	s0 =	sor.u32 s1, s0  }
0xbc: {  	s0 =	sadd.s32 $0x8F2B, s0  }
0xbd: {  	[sflag:s0] =	ssyncadd.remote.s32 $0x1  }
0xbe: {  	_ =	sfence.sel $0xFFFF  }
0xbf: {  	[dreg:$0x0] =	wrdreg $0xFFFFFFFF;
	(pc) =	sbr.abs _section_cstart, $3  }
0xc0: {  	[dreg:$0x1] =	wrdreg $0xFFFFFFFF  }
0xc1: {  	_ =	task.clear_ibuf [dreg:s6], $0x2FFFF;
	_ =	strace $0x9FFFFFFF  }
0xc2: {  	(tm) =	ssettm $0x7FFFFFFF  }
0xc3: {  	_ =	shalt  }
tec
execute0_lowered:
.L_overlay_start_1:
0x0: {  	(tag) =	ssettag $0x1  }
0x1: {  	s1 =	srdreg.scid;
	s7 =	rddreg [dreg:$0x0]  }
0x2: {  	s0 =	stileid.u32;
	s2 =	rddreg [dreg:$0x1];
	s3 =	simm.s32 $0x0  }
0x3: {  	s11 =	simm.s32 $0x2EA00;
	s12 =	simm.s32 $0x50;
	s13 =	simm.s32 $0xA0  }
0x4: {  	s14 =	simm.s32 $0x1;
	s17 =	simm.s32 $0x0;
	s4 =	smul.u32 $0x4E20, s0  }
0x5: {  	s5 =	sand.u32 $0x1, s1;
	s1 =	rddreg [dreg:$0x2];
	s8 =	smul.u32 $0xA000, s0  }
0x6: {  	[smem:$0x7FF] =	sst s3;
	s15 =	sshll.u32 s0, $0x6;
	s6 =	smul.u32 $0x2710, s5  }
0x7: {  	_ =	strace $0x8000004D;
	s31 =	ssub.s32 $0x2, s5;
	p0 =	seq.s32 s5, $0x1  }
0x8: {  	s15 =	sor.u32 $0x1C02, s15;
	s10 =	sshrl.u32 s31, $0x1;
	s5 =	sadd.s32 s8, s2  }
0x9: {  	s11 =	simm.s32 @!p0 $0x42A00;
	s8 =	sshrl.u32 s8, $0x3;
	s6 =	sadd.s32 s6, s4  }
0xa: {  	s4 =	sadd.s32 $0x1AA00, s7;
	s16 =	sshrl.u32 s5, $0x3;
	s6 =	sshrl.u32 s6, $0x3  }
0xb: {  	s9 =	sadd.s32 s6, s7;
	s6 =	ssub.s32 s31, s10;
	s7 =	sadd.s32 s11, s7  }
0xc: {  	s10 =	simm.s32 $0x14A0;
	s11 =	simm.s32 $0x2;
	s6 =	smax.u32 s6, $0x1  }
0xd: {  	v0 =	vimm.f32 $0.0e+00;
	s7 =	sadd.s32 s7, s8;
	s8 =	sadd.s32 $0x6E00, s9;
	s9 =	sadd.s32 $0x10C00, s9  }
.LBB2_1:
0xe: {  	s19 =	simm.s32 $0x100;
	s18 =	simm.s32 $0x0  }
.LBB2_2:
0xf: {  	p0 =	sne.s32 s19, $0x27F00;
	[tilespmem:s18+$0x14D0] =	vst v0;
	s20 =	smov.u32 s19;
	s19 =	sadd.s32 $0x100, s19  }
.Ltmp0:
0x10: {  	[tilespmem:s18+$0x14C0] =	vst v0;
	(pc) =	sbr.rel @p0 .LBB2_2-.Ltmp0, $3  }
0x11: {  	[tilespmem:s18+$0x14A0] =	vst v0  }
0x12: {  	[tilespmem:s18+$0x14B0] =	vst v0;
	_ =	sdelay $0x1  }
0x13: {  	s18 =	sshra.s32 s20, $0x2  }
0x14: {  	[tilespmem:s18+$0x14D0] =	vst v0  }
0x15: {  	[tilespmem:s18+$0x14C0] =	vst v0  }
0x16: {  	[tilespmem:s18+$0x14A0] =	vst v0  }
0x17: {  	[tilespmem:s18+$0x14B0] =	vst v0  }
0x18: {  	[spmem:s5] =	stream.linear.scatter [tilespmem:s10], [sflag:$0x2], $0xA000, $0x38;
	[tilespmem:$0x154A0] =	vst v63  }
0x19: {  	_ =	swait.ge [sflag:s11], $0xA000  }
0x1a: {  	[sflag:s11] =	ssyncset.done $0x0  }
0x1b: {  	[sflag:s11] =	ssyncadd.s32 $0xFFFF6000  }
0x1c: {  	s30 =	sadd.s32 $0x0, s9;
	[bflag:$0x0] =	sbarrier.arrive $0xFFFF  }
0x1d: {  	[tilespmem:s3], [sflag:$0x2] =	stream.linear.gather [hbm4b:s30+s3], $0x50, $0x38;
	[tilespmem:$0x154A0] =	vst v63  }
0x1e: {  	_ =	swait.ge [sflag:s11], $0x50  }
0x1f: {  	[sflag:s11] =	ssyncset.done $0x0  }
0x20: {  	[sflag:s11] =	ssyncadd.s32 $0xFFFFFFB0  }
0x21: {  	[tilespmem:s13], [sflag:$0x1] =	stream.indirect.gather [hbm4b:s4+s12], $0x40, s3, s12, $0xb8;
	[tilespmem:$0x154A0] =	vst v63  }
0x22: {  	_ =	swait.ge [sflag:s14], $0x1400  }
0x23: {  	[sflag:s14] =	ssyncset.done $0x0  }
0x24: {  	s31 =	sadd.s32 $0x0, s8;
	[sflag:s14] =	ssyncadd.s32 $0xFFFFEC00  }
0x25: {  	[tilespmem:s12], [sflag:$0x2] =	stream.linear.gather [hbm4b:s31+s3], $0x50, $0x38;
	[tilespmem:$0x154A0] =	vst v63  }
0x26: {  	_ =	swait.ge [sflag:s11], $0x50  }
0x27: {  	[sflag:s11] =	ssyncset.done $0x0  }
0x28: {  	[sflag:s11] =	ssyncadd.s32 $0xFFFFFFB0  }
0x29: {  	[spmem:s2] =	stream.indirect.scatter.add.f32 [tilespmem:s13], [sflag:$0x2], $0x40, s12, s12, $0xb8;
	[tilespmem:$0x154A0] =	vst v63  }
0x2a: {  	_ =	swait.ge [sflag:s11], $0x1400  }
0x2b: {  	s18 =	simm.s32 $0xA;
	s19 =	simm.s32 $0x14;
	[sflag:s11] =	ssyncset.done $0x0  }
.LBB2_4:
0x2c: {  	s20 =	sadd.s32 s18, s9  }
0x2d: {  	[sflag:s11] =	ssyncadd.s32 $0xFFFFEC00;
	s21 =	smov.u32 s19;
	s22 =	sadd.s32 $0xA, s19  }
0x2e: {  	[tilespmem:s3], [sflag:$0x2] =	stream.linear.gather [hbm4b:s20+s3], $0x50, $0x38;
	[tilespmem:$0x154A0] =	vst v63  }
0x2f: {  	p0 =	sne.s32 s19, $0x4D8;
	_ =	swait.ge [sflag:s11], $0x50  }
0x30: {  	[sflag:s11] =	ssyncset.done $0x0  }
0x31: {  	[sflag:s11] =	ssyncadd.s32 $0xFFFFFFB0  }
0x32: {  	[tilespmem:s13], [sflag:$0x1] =	stream.indirect.gather [hbm4b:s4+s12], $0x40, s3, s12, $0xb8;
	[tilespmem:$0x154A0] =	vst v63  }
0x33: {  	_ =	swait.ge [sflag:s14], $0x1400  }
0x34: {  	[sflag:s14] =	ssyncset.done $0x0  }
0x35: {  	s19 =	sadd.s32 s18, s8;
	s18 =	smov.u32 s21;
	[sflag:s14] =	ssyncadd.s32 $0xFFFFEC00  }
0x36: {  	[tilespmem:s12], [sflag:$0x2] =	stream.linear.gather [hbm4b:s19+s3], $0x50, $0x38;
	[tilespmem:$0x154A0] =	vst v63  }
0x37: {  	_ =	swait.ge [sflag:s11], $0x50  }
.Ltmp1:
0x38: {  	[sflag:s11] =	ssyncset.done $0x0;
	(pc) =	sbr.rel @p0 .LBB2_4-.Ltmp1, $4  }
0x39: {  	[sflag:s11] =	ssyncadd.s32 $0xFFFFFFB0  }
0x3a: {  	[spmem:s2] =	stream.indirect.scatter.add.f32 [tilespmem:s13], [sflag:$0x2], $0x40, s12, s12, $0xb8;
	[tilespmem:$0x154A0] =	vst v63  }
0x3b: {  	_ =	swait.ge [sflag:s11], $0x1400  }
0x3c: {  	s19 =	smov.u32 s22;
	[sflag:s11] =	ssyncset.done $0x0  }
0x3d: {  	s19 =	sadd.s32 s18, s9;
	[sflag:s11] =	ssyncadd.s32 $0xFFFFEC00  }
0x3e: {  	[tilespmem:s3], [sflag:$0x2] =	stream.linear.gather [hbm4b:s19+s3], $0x50, $0x38;
	[tilespmem:$0x154A0] =	vst v63  }
0x3f: {  	_ =	swait.ge [sflag:s11], $0x50  }
0x40: {  	[sflag:s11] =	ssyncset.done $0x0  }
0x41: {  	[sflag:s11] =	ssyncadd.s32 $0xFFFFFFB0  }
0x42: {  	[tilespmem:s13], [sflag:$0x1] =	stream.indirect.gather [hbm4b:s4+s12], $0x40, s3, s12, $0xb8;
	[tilespmem:$0x154A0] =	vst v63  }
0x43: {  	_ =	swait.ge [sflag:s14], $0x1400  }
0x44: {  	[sflag:s14] =	ssyncset.done $0x0  }
0x45: {  	s31 =	sadd.s32 s18, s8;
	[sflag:s14] =	ssyncadd.s32 $0xFFFFEC00  }
0x46: {  	[tilespmem:s12], [sflag:$0x2] =	stream.linear.gather [hbm4b:s31+s3], $0x50, $0x38;
	[tilespmem:$0x154A0] =	vst v63  }
0x47: {  	_ =	swait.ge [sflag:s11], $0x50  }
0x48: {  	[sflag:s11] =	ssyncset.done $0x0  }
0x49: {  	[sflag:s11] =	ssyncadd.s32 $0xFFFFFFB0  }
0x4a: {  	[spmem:s2] =	stream.indirect.scatter.add.f32 [tilespmem:s13], [sflag:$0x2], $0x40, s12, s12, $0xb8;
	[tilespmem:$0x154A0] =	vst v63  }
0x4b: {  	_ =	swait.ge [sflag:s11], $0x1400  }
0x4c: {  	s17 =	sadd.s32 $0x1, s17;
	[sflag:s11] =	ssyncset.done $0x0  }
0x4d: {  	p0 =	sne.s32 s17, s6;
	[sflag:s11] =	ssyncadd.s32 $0xFFFFEC00  }
.Ltmp2:
0x4e: {  	[bflag:$0x0] =	sbarrier.arrive $0xFFFF;
	(pc) =	sbr.rel @p0 .LBB2_1-.Ltmp2, $4  }
0x4f: {  	[hbm:s7], [sflag:s15] =	dma.local [spmem:s16], $0x1400  }
0x50: {  	_ =	swait.ge [sflag:s11], $0x1400  }
0x51: {  	[sflag:s11] =	ssyncset.done $0x0  }
0x52: {  	[sflag:s11] =	ssyncadd.s32 $0xFFFFEC00  }
0x53: {  	_ =	sfence.sel $0x180000  }
0x54: {  	[bflag:$0x0] =	sbarrier.arrive $0xFFFF  }
0x55: {  	p0 =	sne.s32 s0, $0x0;
	_ =	strace $0x9000004D  }
0x56: {  	s0 =	sadd.s32 @!p0 $0x100000, s1;
	[bflag:$0x2] =	sbarrier.arrive $0xFFFF  }
0x57: {  	[sflag:s0] =	ssyncadd.tile.s32 @!p0 $0x1;
	_ =	shalt  }
.Lfunc_end2:
_tile_overlayer_lowered:
.L_overlay_start_2:
0x58: {  	(tag) =	ssettag $0x2  }
0x59: {  	s0 =	rddreg [dreg:$0x0];
	s2 =	stileid.u32  }
0x5a: {  	s1 =	rddreg [dreg:$0x1];
	p0 =	sne.s32 s2, $0x0  }
0x5b: {  	s3 =	rddreg [dreg:$0x2];
	[bflag:$0x3] =	sbarrier.arrive $0xFFFF;
	s2 =	simm.s32 @!p0 $0x1C02  }
0x5c: {  	[timem:s3], [sflag:s2] =	dma.local @!p0 [hbm:s0], s1  }
0x5d: {  	s0 =	simm.s32 @!p0 $0x2  }
0x5e: {  	_ =	swait.ge @!p0 [sflag:s0], s1  }
0x5f: {  	s1 =	ssub.s32 @!p0 $0x0, s1;
	[sflag:s0] =	ssyncset.done @!p0 $0x0  }
0x60: {  	[sflag:s0] =	ssyncadd.s32 @!p0 s1  }
0x61: {  	[bflag:$0x3] =	sbarrier.arrive $0xFFFF  }
0x62: {  	_ =	shalt  }

// kernel: kernel.9.cloned.1.call-start
scs
__scs_entry_jumppad:
0x0: {  	(pc) =	sbr.rel $0x88, $3  }
0x1: {  	(tag) =	ssettag $0x0;
	lr =	simm.s32 $0x1  }
0x2: {  	[smem:$0x3F7B] =	sst lr;
	_ =	strace $0xD0000000  }
0x3: {  	_ = 	snop  }
0x4: {  	_ = 	snop  }
0x5: {  	_ = 	snop  }
0x6: {  	_ = 	snop  }
0x7: {  	_ = 	snop  }
__scs_overlays_trampoline_lowered:
0x8: {  	[smem:$0x3F8A] =	sst s0  }
0x9: {  	[smem:$0x3F8B] =	sst s1  }
0xa: {  	[smem:$0x3F8C] =	sst s2  }
0xb: {  	[smem:$0x3F8D] =	sst s3  }
0xc: {  	[smem:$0x3F8E] =	sst s4  }
0xd: {  	[smem:$0x3F8F] =	sst s5  }
0xe: {  	[smem:$0x3F90] =	sst s6  }
0xf: {  	[smem:$0x3F91] =	sst s7  }
0x10: {  	[smem:$0x3F92] =	sst s8  }
0x11: {  	[smem:$0x3F93] =	sst s9;
	s0 =	simm.s32 @!p0 $0x0  }
0x12: {  	s1 =	sld [smem:$0x3F79];
	s0 =	simm.s32 @p0 $0x1  }
0x13: {  	[smem:$0x3F94] =	sst s0;
	s0 =	simm.s32 @!p1 $0x0  }
0x14: {  	s2 =	sld [smem:$0x3F78];
	s0 =	simm.s32 @p1 $0x1  }
0x15: {  	[smem:$0x3F95] =	sst s0;
	s0 =	simm.s32 @!p2 $0x0  }
0x16: {  	s3 =	sld [smem:$0x3FDB];
	s0 =	simm.s32 @p2 $0x1  }
0x17: {  	s4 =	simm.s32 $0x1BF5;
	[smem:$0x3F97] =	sst s0  }
0x18: {  	s0 =	sld [smem:$0x3F7A];
	_ =	swait.ge [sflag:s4], $0x0  }
0x19: {  	s7 =	sld [smem:$0x3F7B]  }
0x1a: {  	s8 =	sadd.s32 $0xFFFFE003, lr  }
0x1b: {  	s9 =	sadd.s32 $0xFFFFFEF7, lr;
	s5 =	simm.s32 $0xFFFFFFFF;
	p2 =	slt.u32 s8, $0xFFFFF086  }
0x1c: {  	p1 =	slt.u32 s9, $0xF7A;
	s5 =	simm.s32 @!p2 $0x0  }
0x1d: {  	s5 =	simm.s32 @p1 $0x1;
	p0 =	seq.s32 s7, s2  }
0x1e: {  	s7 =	smul.u32 @!p0 $0xF7A, s2;
	p2 =	seq.s32 @!p0 s5, $0x0  }
0x1f: {  	s9 =	smul.u32 $0xF7A, s1;
	s8 =	simm.s32 @!p0 $0x1BF5;
	p2 =	por !p2, p0  }
0x20: {  	[sflag:s8] =	ssyncset.s32 @!p0 $0xFFFFF086;
	s6 =	sadd.s32 @!p0 s3, s7;
	s7 =	simm.s32 @!p0 $0x108  }
0x21: {  	s3 =	sadd.s32 s3, s9;
	s6 =	sadd.s32 @!p0 $0x88, s6;
	s7 =	simm.s32 @p2 $0x1082  }
0x22: {  	[simem:s7], [sflag:s8] =	dma.local @!p0 [hbm:s6], $0xF7A  }
0x23: {  	s9 =	sor.u32 $0xD0000000, s2;
	s6 =	simm.s32 $0x108;
	_ =	swait.ge @!p0 [sflag:s8], $0x0  }
0x24: {  	s3 =	sadd.s32 $0x88, s3;
	s6 =	simm.s32 @!p1 $0x1082;
	[sflag:s4] =	ssyncset.s32 $0xFFFFF086  }
0x25: {  	[simem:s6], [sflag:s4] =	dma.local [hbm:s3], $0xF7A  }
0x26: {  	[smem:$0x3F7B] =	sst s1;
	(tag) =	ssettag s2;
	_ =	strace s9  }
0x27: {  	s1 =	sld [smem:$0x3F8B]  }
0x28: {  	s2 =	sld [smem:$0x3F8C]  }
0x29: {  	s4 =	sld [smem:$0x3F8E]  }
0x2a: {  	p0 =	seq.s32 s5, $0x0;
	s5 =	sld [smem:$0x3F8F]  }
0x2b: {  	s6 =	sld [smem:$0x3F90]  }
0x2c: {  	s7 =	sld [smem:$0x3F91]  }
0x2d: {  	s3 =	simm.s32 $0x108;
	s8 =	sld [smem:$0x3F92]  }
0x2e: {  	s3 =	simm.s32 @!p0 $0x1082;
	s9 =	sld [smem:$0x3F93]  }
0x2f: {  	lr =	sadd.s32 s0, s3;
	s0 =	sld [smem:$0x3F8A]  }
0x30: {  	s3 =	sld [smem:$0x3F8D]  }
0x31: {  	[smem:$0x3F96] =	sst s10  }
0x32: {  	s10 =	sld [smem:$0x3F94];
	_ =	sdelay $0x3  }
0x33: {  	p0 =	seq.s32 s10, $0x1;
	s10 =	sld [smem:$0x3F96];
	_ =	sdelay $0x3  }
0x34: {  	[smem:$0x3F96] =	sst s10  }
0x35: {  	s10 =	sld [smem:$0x3F95];
	_ =	sdelay $0x3  }
0x36: {  	p1 =	seq.s32 s10, $0x1;
	s10 =	sld [smem:$0x3F96];
	_ =	sdelay $0x3  }
0x37: {  	[smem:$0x3F96] =	sst s10  }
0x38: {  	s10 =	sld [smem:$0x3F97]  }
0x39: {  	_ = 	snop;
	(pc) =	sbr.ind lr, $3  }
0x3a: {  	_ = 	snop  }
0x3b: {  	_ = 	snop  }
0x3c: {  	p2 =	seq.s32 s10, $0x1;
	s10 =	sld [smem:$0x3F96]  }
0x3d: {  	_ =	shalt  }
0x3e: {  	_ =	shalt  }
0x3f: {  	_ =	shalt  }
0x40: {  	_ =	shalt  }
0x41: {  	_ =	shalt  }
0x42: {  	_ =	shalt  }
0x43: {  	_ =	shalt  }
0x44: {  	_ =	shalt  }
0x45: {  	_ =	shalt  }
0x46: {  	_ =	shalt  }
0x47: {  	_ =	shalt  }
0x48: {  	_ =	shalt  }
0x49: {  	_ =	shalt  }
0x4a: {  	_ =	shalt  }
0x4b: {  	_ =	shalt  }
0x4c: {  	_ =	shalt  }
0x4d: {  	_ =	shalt  }
0x4e: {  	_ =	shalt  }
0x4f: {  	_ =	shalt  }
0x50: {  	_ =	shalt  }
0x51: {  	_ =	shalt  }
0x52: {  	_ =	shalt  }
0x53: {  	_ =	shalt  }
0x54: {  	_ =	shalt  }
0x55: {  	_ =	shalt  }
0x56: {  	_ =	shalt  }
0x57: {  	_ =	shalt  }
0x58: {  	_ =	shalt  }
0x59: {  	_ =	shalt  }
0x5a: {  	_ =	shalt  }
0x5b: {  	_ =	shalt  }
0x5c: {  	_ =	shalt  }
0x5d: {  	_ =	shalt  }
0x5e: {  	_ =	shalt  }
0x5f: {  	_ =	shalt  }
0x60: {  	_ =	shalt  }
0x61: {  	_ =	shalt  }
0x62: {  	_ =	shalt  }
0x63: {  	_ =	shalt  }
0x64: {  	_ =	shalt  }
0x65: {  	_ =	shalt  }
0x66: {  	_ =	shalt  }
0x67: {  	_ =	shalt  }
0x68: {  	_ =	shalt  }
0x69: {  	_ =	shalt  }
0x6a: {  	_ =	shalt  }
0x6b: {  	_ =	shalt  }
0x6c: {  	_ =	shalt  }
0x6d: {  	_ =	shalt  }
0x6e: {  	_ =	shalt  }
0x6f: {  	_ =	shalt  }
0x70: {  	_ =	shalt  }
0x71: {  	_ =	shalt  }
0x72: {  	_ =	shalt  }
0x73: {  	_ =	shalt  }
0x74: {  	_ =	shalt  }
0x75: {  	_ =	shalt  }
0x76: {  	_ =	shalt  }
0x77: {  	_ =	shalt  }
0x78: {  	_ =	shalt  }
0x79: {  	_ =	shalt  }
0x7a: {  	_ =	shalt  }
0x7b: {  	_ =	shalt  }
0x7c: {  	_ =	shalt  }
0x7d: {  	_ =	shalt  }
0x7e: {  	_ =	shalt  }
0x7f: {  	_ =	shalt  }
0x80: {  	_ =	shalt  }
0x81: {  	_ =	shalt  }
0x82: {  	_ =	shalt  }
0x83: {  	_ =	shalt  }
0x84: {  	_ =	shalt  }
0x85: {  	_ =	shalt  }
0x86: {  	_ =	shalt  }
0x87: {  	_ =	shalt  }
.Lfunc_end0:
.L_simem_size_0:
called_computation_lowered:
.L_overlay_start_0:
0x88: {  	s2 =	sld [smem:$0x3FD9]  }
0x89: {  	s3 =	sld [smem:$0x3FFE];
	_ =	sdelay $0x1  }
0x8a: {  	s1 =	srdreg.scid  }
0x8b: {  	s0 =	sand.u32 $0x1, s1  }
0x8c: {  	s16 =	sshll.u32 s0, $0xA;
	s2 =	sadd.s32 s3, s2  }
0x8d: {  	s2 =	sadd.s32 s2, s16  }
0x8e: {  	[smem:$0x3FA2] =	sst s2  }
0x8f: {  	_ = 	snop  }
0x90: {  	(tm) =	ssettm $0x1  }
0x91: {  	s17 =	sld [smem:$0x3FFB];
	_ =	sdelay $0x3  }
0x92: {  	_ =	strace s17  }
0x93: {  	s2 =	sld [smem:$0x3FFC];
	_ =	sdelay $0x3  }
0x94: {  	_ =	strace s2  }
0x95: {  	s2 =	sld [smem:$0x3FFD];
	_ =	sdelay $0x3  }
0x96: {  	_ =	strace s2  }
0x97: {  	_ =	strace $0x8FFFFFFF  }
0x98: {  	s18 =	sld [smem:$0x3FDB];
	_ =	sdelay $0x1  }
0x99: {  	s19 =	simm.s32 $_scs_section_size  }
0x9a: {  	s4 =	simm.s32 $_size__tile_overlayer_lowered;
	s5 =	simm.s32 $_tile_overlayer_lowered  }
0x9b: {  	s22 =	simm.s32 $0x1BFF;
	s21 =	sshll.u32 s5, $0x1;
	s2 =	sadd.s32 s19, s18  }
0x9c: {  	s6 =	simm.s32 $0x0;
	s20 =	sshll.u32 s4, $0x1;
	s4 =	sadd.s32 s21, s2  }
0x9d: {  	[timem:s6], [sflag:s22] =	dma.local [hbm:s4], s20  }
0x9e: {  	_ =	swait.ge [sflag:s22], s20  }
0x9f: {  	s3 =	ssub.s32 $0x0, s20;
	[sflag:s22] =	ssyncset.done $0x0  }
0xa0: {  	[sflag:s22] =	ssyncadd.s32 s3;
	_ =	sdelay $0x1  }
0xa1: {  	s23 =	simm.s32 $0x1B8B  }
0xa2: {  	_ =	swait.ge [sflag:s23], $0x1  }
0xa3: {  	[sflag:s23] =	ssyncset.done $0x0  }
0xa4: {  	s25 =	simm.s32 $0x1B8E;
	s24 =	sld [smem:$0x3FFE];
	[sflag:s23] =	ssyncadd.s32 $0xFFFFFFFF  }
0xa5: {  	s26 =	simm.s32 $execute0_lowered;
	[smem:$0x3FD2] =	sst s25  }
0xa6: {  	s4 =	sshll.u32 s26, $0x1;
	_ =	strace $0x80000046;
	[dreg:$0x1] =	wrdreg $0xFFFFFFFF  }
0xa7: {  	s28 =	simm.s32 $_size_execute0_lowered;
	s2 =	sadd.s32 s2, s4;
	[dreg:$0x0] =	wrdreg $0x0  }
0xa8: {  	s4 =	sshll.u32 s28, $0x1;
	[dreg:$0x2] =	wrdreg s2  }
0xa9: {  	[dreg:$0x3] =	wrdreg s4  }
0xaa: {  	[dreg:$0x4] =	wrdreg $0xC0  }
0xab: {  	_ =	task [dreg:s6], $0x5FFFF  }
0xac: {  	[dreg:$0x1] =	wrdreg $0xFFFFFFFF  }
0xad: {  	[dreg:$0x0] =	wrdreg $0x60  }
0xae: {  	[dreg:$0x2] =	wrdreg s24  }
0xaf: {  	[dreg:$0x3] =	wrdreg $0xB4A00  }
0xb0: {  	[dreg:$0x4] =	wrdreg $0x181A00  }
0xb1: {  	[dreg:$0x5] =	wrdreg $0x9  }
0xb2: {  	_ =	task.clear_ibuf [dreg:s6], $0x6FFFF;
	_ =	strace $0x90000046  }
0xb3: {  	s29 =	simm.s32 $0x9;
	_ =	strace $0x80000048  }
0xb4: {  	_ =	swait.ge [sflag:s29], $0x1  }
0xb5: {  	[sflag:s29] =	ssyncadd.s32 $0xFFFFFFFF  }
0xb6: {  	_ =	strace $0x90000048  }
0xb7: {  	_ =	sfence  }
0xb8: {  	s30 =	sld [smem:$0x0];
	_ =	sdelay $0x2  }
0xb9: {  	s31 =	sshll.u32 s1, $0xD;
	s1 =	sshrl.u32 s1, $0x2  }
0xba: {  	s3 =	sand.u32 $0x4000, s31;
	s1 =	sadd.s32 s1, s30  }
0xbb: {  	s0 =	sor.u32 s3, s0;
	s1 =	sshll.u32 s1, $0x11  }
0xbc: {  	s0 =	sor.u32 s1, s0  }
0xbd: {  	s0 =	sadd.s32 $0x8F2B, s0  }
0xbe: {  	[sflag:s0] =	ssyncadd.remote.s32 $0x1  }
0xbf: {  	_ =	sfence.sel $0xFFFF  }
0xc0: {  	[dreg:$0x0] =	wrdreg $0xFFFFFFFF;
	(pc) =	sbr.abs _section_cstart, $3  }
0xc1: {  	[dreg:$0x1] =	wrdreg $0xFFFFFFFF  }
0xc2: {  	_ =	task.clear_ibuf [dreg:s6], $0x2FFFF;
	_ =	strace $0x9FFFFFFF  }
0xc3: {  	(tm) =	ssettm $0x7FFFFFFF  }
tec
execute0_lowered:
.L_overlay_start_1:
0x0: {  	(tag) =	ssettag $0x1  }
0x1: {  	s6 =	rddreg [dreg:$0x0]  }
0x2: {  	s1 =	srdreg.scid;
	s2 =	rddreg [dreg:$0x1]  }
0x3: {  	s0 =	stileid.u32;
	s3 =	rddreg [dreg:$0x2]  }
0x4: {  	s4 =	simm.s32 $0x0;
	s19 =	simm.s32 $0x1;
	s5 =	smul.u32 $0x4E20, s0  }
0x5: {  	s20 =	simm.s32 $0x154A0;
	s21 =	simm.s32 $0x0;
	s9 =	smul.u32 $0x9C40, s0  }
0x6: {  	s8 =	sand.u32 $0x1, s1;
	s1 =	rddreg [dreg:$0x3];
	s11 =	smul.u32 $0xA000, s0  }
0x7: {  	[smem:$0x7FF] =	sst s4;
	s12 =	sadd.s32 $0x38A00, s6;
	s14 =	smul.u32 $0x2800, s0  }
0x8: {  	s15 =	sadd.s32 $0x33A00, s6;
	s16 =	sadd.s32 $0x2EA00, s6;
	s7 =	smul.u32 $0x2710, s8  }
0x9: {  	_ =	strace $0x80000047;
	s29 =	ssub.s32 $0x2, s8;
	p0 =	seq.s32 s8, $0x1  }
0xa: {  	s18 =	smul.u32 $0x4E20, s8;
	s10 =	sadd.s32 s9, s6;
	s9 =	sadd.s32 $0x4CA00, s6  }
0xb: {  	s30 =	sshrl.u32 s29, $0x1;
	s15 =	smov.u32 @p0 s16;
	s16 =	simm.s32 $0x159A0  }
0xc: {  	s5 =	sadd.s32 s7, s5;
	s17 =	ssub.s32 s29, s30;
	s9 =	smov.u32 @p0 s12  }
0xd: {  	s31 =	sadd.s32 s18, s10;
	s18 =	simm.s32 $0xA0;
	s7 =	sshrl.u32 s5, $0x3  }
0xe: {  	s5 =	sadd.s32 $0x1AA00, s6;
	s8 =	smax.u32 s17, $0x1;
	s17 =	simm.s32 $0x50  }
0xf: {  	s13 =	sadd.s32 s7, s6;
	s6 =	sadd.s32 s11, s2;
	s11 =	sshrl.u32 s11, $0x3  }
0x10: {  	s7 =	sadd.s32 s14, s3;
	s14 =	sshrl.u32 s14, $0x3;
	s9 =	sadd.s32 s9, s11  }
0x11: {  	s10 =	sadd.s32 s15, s14;
	s11 =	sadd.s32 $0x4FCA00, s31;
	s12 =	sadd.s32 $0x6E00, s13  }
0x12: {  	v0 =	vimm.f32 $0.0e+00;
	s13 =	sadd.s32 $0x10C00, s13;
	s14 =	simm.s32 $0x14A0;
	s15 =	simm.s32 $0x2  }
.LBB2_1:
0x13: {  	s22 =	simm.s32 $0x14C0  }
0x14: {  	[tilespmem:s22+$0x0] =	vst v0  }
0x15: {  	[tilespmem:s22+$0xFFFFFFE0] =	vst v0  }
0x16: {  	[tilespmem:s22+$0x10] =	vst v0  }
0x17: {  	s23 =	simm.s32 $0x40;
	s24 =	simm.s32 $0x0;
	[tilespmem:s22+$0xFFFFFFF0] =	vst v0  }
.LBB2_2:
0x18: {  	p0 =	sne.s32 s23, $0x9FC0  }
0x19: {  	[tilespmem:s24+$0x159A0] =	vst v0;
	s22 =	sadd.s32 $0x40, s22;
	s24 =	smov.u32 s23;
	s23 =	sadd.s32 $0x40, s23  }
.Ltmp0:
0x1a: {  	[tilespmem:s22+$0x0] =	vst v0;
	(pc) =	sbr.rel @p0 .LBB2_2-.Ltmp0, $4  }
0x1b: {  	_ = 	snop  }
0x1c: {  	[tilespmem:s22+$0xFFFFFFE0] =	vst v0  }
0x1d: {  	[tilespmem:s22+$0x10] =	vst v0  }
0x1e: {  	s24 =	sshra.s32 s24, $0x2;
	[tilespmem:s22+$0xFFFFFFF0] =	vst v0  }
0x1f: {  	[tilespmem:s24+$0x159A0] =	vst v0  }
0x20: {  	[spmem:s6] =	stream.linear.scatter [tilespmem:s14], [sflag:$0x2], $0xA000, $0x38;
	[tilespmem:$0x1A9A0] =	vst v63  }
0x21: {  	_ =	swait.ge [sflag:s15], $0xA000  }
0x22: {  	[sflag:s15] =	ssyncset.done $0x0  }
0x23: {  	[sflag:s15] =	ssyncadd.s32 $0xFFFF6000  }
0x24: {  	[spmem:s7] =	stream.linear.scatter [tilespmem:s16], [sflag:$0x2], $0x2800, $0x38;
	[tilespmem:$0x1A9A0] =	vst v63  }
0x25: {  	_ =	swait.ge [sflag:s15], $0x2800  }
0x26: {  	[sflag:s15] =	ssyncset.done $0x0  }
0x27: {  	[sflag:s15] =	ssyncadd.s32 $0xFFFFD800  }
0x28: {  	s22 =	sadd.s32 $0x0, s13;
	[bflag:$0x0] =	sbarrier.arrive $0xFFFF  }
0x29: {  	[tilespmem:s4], [sflag:$0x2] =	stream.linear.gather [hbm4b:s22+s4], $0x50, $0x38;
	[tilespmem:$0x1A9A0] =	vst v63  }
0x2a: {  	_ =	swait.ge [sflag:s15], $0x50  }
0x2b: {  	[sflag:s15] =	ssyncset.done $0x0  }
0x2c: {  	[sflag:s15] =	ssyncadd.s32 $0xFFFFFFB0  }
0x2d: {  	[tilespmem:s18], [sflag:$0x1] =	stream.indirect.gather [hbm4b:s5+s17], $0x40, s4, s17, $0xb8;
	[tilespmem:$0x1A9A0] =	vst v63  }
0x2e: {  	_ =	swait.ge [sflag:s19], $0x1400  }
0x2f: {  	[sflag:s19] =	ssyncset.done $0x0  }
0x30: {  	s31 =	sadd.s32 $0x0, s12;
	[sflag:s19] =	ssyncadd.s32 $0xFFFFEC00  }
0x31: {  	[tilespmem:s17], [sflag:$0x2] =	stream.linear.gather [hbm4b:s31+s4], $0x50, $0x38;
	[tilespmem:$0x1A9A0] =	vst v63  }
0x32: {  	_ =	swait.ge [sflag:s15], $0x50  }
0x33: {  	[sflag:s15] =	ssyncset.done $0x0  }
0x34: {  	[sflag:s15] =	ssyncadd.s32 $0xFFFFFFB0  }
0x35: {  	[spmem:s2] =	stream.indirect.scatter.add.f32 [tilespmem:s18], [sflag:$0x2], $0x40, s17, s17, $0xb8;
	[tilespmem:$0x1A9A0] =	vst v63  }
0x36: {  	_ =	swait.ge [sflag:s15], $0x1400  }
0x37: {  	[sflag:s15] =	ssyncset.done $0x0  }
0x38: {  	[sflag:s15] =	ssyncadd.s32 $0xFFFFEC00  }
0x39: {  	[tilespmem:s20], [sflag:$0x2] =	stream.linear.gather [hbm4b:s11+s4], $0x500, $0x38;
	[tilespmem:$0x1A9A0] =	vst v63  }
0x3a: {  	_ =	swait.ge [sflag:s15], $0x500  }
0x3b: {  	[sflag:s15] =	ssyncset.done $0x0  }
0x3c: {  	[sflag:s15] =	ssyncadd.s32 $0xFFFFFB00  }
0x3d: {  	[spmem:s3] =	stream.indirect.scatter.add.f32 [tilespmem:s20], [sflag:$0x2], $0x10, s17, s17, $0xb8;
	[tilespmem:$0x1A9A0] =	vst v63  }
0x3e: {  	s23 =	simm.s32 $0xA;
	_ =	swait.ge [sflag:s15], $0x500  }
0x3f: {  	s24 =	simm.s32 $0x14;
	s22 =	sadd.s32 $0xA0, s11;
	[sflag:s15] =	ssyncset.done $0x0  }
.LBB2_4:
0x40: {  	s25 =	sadd.s32 s23, s13  }
0x41: {  	[sflag:s15] =	ssyncadd.s32 $0xFFFFFB00;
	s26 =	smov.u32 s24;
	s28 =	sadd.s32 $0xA, s24  }
0x42: {  	[tilespmem:s4], [sflag:$0x2] =	stream.linear.gather [hbm4b:s25+s4], $0x50, $0x38;
	[tilespmem:$0x1A9A0] =	vst v63  }
0x43: {  	p0 =	sne.s32 s24, $0x4D8;
	_ =	swait.ge [sflag:s15], $0x50  }
0x44: {  	[sflag:s15] =	ssyncset.done $0x0  }
0x45: {  	[sflag:s15] =	ssyncadd.s32 $0xFFFFFFB0  }
0x46: {  	[tilespmem:s18], [sflag:$0x1] =	stream.indirect.gather [hbm4b:s5+s17], $0x40, s4, s17, $0xb8;
	[tilespmem:$0x1A9A0] =	vst v63  }
0x47: {  	_ =	swait.ge [sflag:s19], $0x1400  }
0x48: {  	[sflag:s19] =	ssyncset.done $0x0  }
0x49: {  	s24 =	sadd.s32 s23, s12;
	s23 =	smov.u32 s26;
	[sflag:s19] =	ssyncadd.s32 $0xFFFFEC00  }
0x4a: {  	[tilespmem:s17], [sflag:$0x2] =	stream.linear.gather [hbm4b:s24+s4], $0x50, $0x38;
	[tilespmem:$0x1A9A0] =	vst v63  }
0x4b: {  	_ =	swait.ge [sflag:s15], $0x50  }
0x4c: {  	[sflag:s15] =	ssyncset.done $0x0  }
0x4d: {  	[sflag:s15] =	ssyncadd.s32 $0xFFFFFFB0  }
0x4e: {  	[spmem:s2] =	stream.indirect.scatter.add.f32 [tilespmem:s18], [sflag:$0x2], $0x40, s17, s17, $0xb8;
	[tilespmem:$0x1A9A0] =	vst v63  }
0x4f: {  	_ =	swait.ge [sflag:s15], $0x1400  }
0x50: {  	[sflag:s15] =	ssyncset.done $0x0  }
0x51: {  	[sflag:s15] =	ssyncadd.s32 $0xFFFFEC00  }
0x52: {  	[tilespmem:s20], [sflag:$0x2] =	stream.linear.gather [hbm4b:s22+s4], $0x500, $0x38;
	[tilespmem:$0x1A9A0] =	vst v63  }
0x53: {  	_ =	swait.ge [sflag:s15], $0x500  }
.Ltmp1:
0x54: {  	[sflag:s15] =	ssyncset.done $0x0;
	(pc) =	sbr.rel @p0 .LBB2_4-.Ltmp1, $4  }
0x55: {  	[sflag:s15] =	ssyncadd.s32 $0xFFFFFB00  }
0x56: {  	[spmem:s3] =	stream.indirect.scatter.add.f32 [tilespmem:s20], [sflag:$0x2], $0x10, s17, s17, $0xb8;
	[tilespmem:$0x1A9A0] =	vst v63  }
0x57: {  	_ =	swait.ge [sflag:s15], $0x500  }
0x58: {  	s24 =	smov.u32 s28;
	s22 =	sadd.s32 $0xA0, s22;
	[sflag:s15] =	ssyncset.done $0x0  }
0x59: {  	s24 =	sadd.s32 s23, s13;
	[sflag:s15] =	ssyncadd.s32 $0xFFFFFB00  }
0x5a: {  	[tilespmem:s4], [sflag:$0x2] =	stream.linear.gather [hbm4b:s24+s4], $0x50, $0x38;
	[tilespmem:$0x1A9A0] =	vst v63  }
0x5b: {  	_ =	swait.ge [sflag:s15], $0x50  }
0x5c: {  	[sflag:s15] =	ssyncset.done $0x0  }
0x5d: {  	[sflag:s15] =	ssyncadd.s32 $0xFFFFFFB0  }
0x5e: {  	[tilespmem:s18], [sflag:$0x1] =	stream.indirect.gather [hbm4b:s5+s17], $0x40, s4, s17, $0xb8;
	[tilespmem:$0x1A9A0] =	vst v63  }
0x5f: {  	_ =	swait.ge [sflag:s19], $0x1400  }
0x60: {  	[sflag:s19] =	ssyncset.done $0x0  }
0x61: {  	s28 =	sadd.s32 s23, s12;
	[sflag:s19] =	ssyncadd.s32 $0xFFFFEC00  }
0x62: {  	[tilespmem:s17], [sflag:$0x2] =	stream.linear.gather [hbm4b:s28+s4], $0x50, $0x38;
	[tilespmem:$0x1A9A0] =	vst v63  }
0x63: {  	_ =	swait.ge [sflag:s15], $0x50  }
0x64: {  	[sflag:s15] =	ssyncset.done $0x0  }
0x65: {  	[sflag:s15] =	ssyncadd.s32 $0xFFFFFFB0  }
0x66: {  	[spmem:s2] =	stream.indirect.scatter.add.f32 [tilespmem:s18], [sflag:$0x2], $0x40, s17, s17, $0xb8;
	[tilespmem:$0x1A9A0] =	vst v63  }
0x67: {  	_ =	swait.ge [sflag:s15], $0x1400  }
0x68: {  	[sflag:s15] =	ssyncset.done $0x0  }
0x69: {  	[sflag:s15] =	ssyncadd.s32 $0xFFFFEC00  }
0x6a: {  	[tilespmem:s20], [sflag:$0x2] =	stream.linear.gather [hbm4b:s22+s4], $0x500, $0x38;
	[tilespmem:$0x1A9A0] =	vst v63  }
0x6b: {  	_ =	swait.ge [sflag:s15], $0x500  }
0x6c: {  	[sflag:s15] =	ssyncset.done $0x0  }
0x6d: {  	[sflag:s15] =	ssyncadd.s32 $0xFFFFFB00  }
0x6e: {  	[spmem:s3] =	stream.indirect.scatter.add.f32 [tilespmem:s20], [sflag:$0x2], $0x10, s17, s17, $0xb8;
	[tilespmem:$0x1A9A0] =	vst v63  }
0x6f: {  	_ =	swait.ge [sflag:s15], $0x500  }
0x70: {  	[sflag:s15] =	ssyncset.done $0x0  }
0x71: {  	s29 =	sshll.u32 s0, $0x6;
	[sflag:s15] =	ssyncadd.s32 $0xFFFFFB00  }
0x72: {  	s30 =	sshrl.u32 s6, $0x3;
	s22 =	sor.u32 $0x1C02, s29;
	[bflag:$0x0] =	sbarrier.arrive $0xFFFF  }
0x73: {  	[hbm:s9], [sflag:s22] =	dma.local [spmem:s30], $0x1400  }
0x74: {  	s21 =	sadd.s32 $0x1, s21;
	_ =	swait.ge [sflag:s15], $0x1400  }
0x75: {  	p0 =	sne.s32 s21, s8;
	[sflag:s15] =	ssyncset.done $0x0  }
.Ltmp2:
0x76: {  	s31 =	sshrl.u32 s7, $0x3;
	[sflag:s15] =	ssyncadd.s32 $0xFFFFEC00;
	(pc) =	sbr.rel @p0 .LBB2_1-.Ltmp2, $4  }
0x77: {  	[hbm:s10], [sflag:s22] =	dma.local [spmem:s31], $0x500  }
0x78: {  	_ =	swait.ge [sflag:s15], $0x500  }
0x79: {  	[sflag:s15] =	ssyncset.done $0x0  }
0x7a: {  	[sflag:s15] =	ssyncadd.s32 $0xFFFFFB00  }
0x7b: {  	_ =	sfence.sel $0x180000  }
0x7c: {  	[bflag:$0x0] =	sbarrier.arrive $0xFFFF  }
0x7d: {  	p0 =	sne.s32 s0, $0x0;
	_ =	strace $0x90000047  }
0x7e: {  	s0 =	sadd.s32 @!p0 $0x100000, s1;
	[bflag:$0x2] =	sbarrier.arrive $0xFFFF  }
0x7f: {  	[sflag:s0] =	ssyncadd.tile.s32 @!p0 $0x1;
	_ =	shalt  }
.Lfunc_end2:
_tile_overlayer_lowered:
.L_overlay_start_2:
0x80: {  	(tag) =	ssettag $0x2  }
0x81: {  	s0 =	rddreg [dreg:$0x0];
	s2 =	stileid.u32  }
0x82: {  	s1 =	rddreg [dreg:$0x1];
	p0 =	sne.s32 s2, $0x0  }
0x83: {  	s3 =	rddreg [dreg:$0x2];
	[bflag:$0x3] =	sbarrier.arrive $0xFFFF;
	s2 =	simm.s32 @!p0 $0x1C02  }
0x84: {  	[timem:s3], [sflag:s2] =	dma.local @!p0 [hbm:s0], s1  }
0x85: {  	s0 =	simm.s32 @!p0 $0x2  }
0x86: {  	_ =	swait.ge @!p0 [sflag:s0], s1  }
0x87: {  	s1 =	ssub.s32 @!p0 $0x0, s1;
	[sflag:s0] =	ssyncset.done @!p0 $0x0  }
0x88: {  	[sflag:s0] =	ssyncadd.s32 @!p0 s1  }
0x89: {  	[bflag:$0x3] =	sbarrier.arrive $0xFFFF  }
0x8a: {  	_ =	shalt  }

</sc_bundles>
